<compile_context>
chip_gen: v7x
topology: tpu7x:2x2x1
jax: 0.10.2.dev20260603
libtpu: 0.0.44.dev20260713+nightly
codegen_flags: <defaults>
</compile_context>

<pallas_src>
import functools

import jax
import jax.numpy as jnp
from jax import lax
from jax.experimental import pallas as pl
from jax.experimental.pallas import tpu as pltpu
from jax.experimental.pallas import tpu_sc as plsc

EPS = 1e-5
Z_COEF = 0.001

S, D, H, E, F = 2048, 1024, 16, 8, 1536
DH = D // H
BM = 256
NBLK = 24
NBLK_PAD = 32
RPAD = NBLK * BM
NC, NS = 2, 16
NW = NC * NS
TPW = S // NW
D2 = D // 2


def _to_i32(a):
    return lax.bitcast_convert_type(a.reshape(a.shape[0], D2, 2), jnp.int32)


def _to_bf16(a):
    return lax.bitcast_convert_type(a, jnp.bfloat16).reshape(a.shape[0], D)


def _rmsnorm(v, w):
    return v * lax.rsqrt(jnp.mean(v * v, axis=-1, keepdims=True) + EPS) * w


def _qkv_body(x_ref, ln_ref, wq_ref, wk_ref, wv_ref, q_ref, k_ref, v_ref):
    h = _rmsnorm(x_ref[...], ln_ref[...]).astype(jnp.bfloat16)
    q_ref[...] = jnp.dot(h, wq_ref[...],
                         preferred_element_type=jnp.float32).astype(jnp.bfloat16)
    k_ref[...] = jnp.dot(h, wk_ref[...],
                         preferred_element_type=jnp.float32).astype(jnp.bfloat16)
    v_ref[...] = jnp.dot(h, wv_ref[...],
                         preferred_element_type=jnp.float32).astype(jnp.bfloat16)


def _qkv(x, ln1_w, Wq, Wk, Wv, *, bm):
    wspec = pl.BlockSpec((D, D), lambda i: (0, 0))
    mspec = pl.BlockSpec((bm, D), lambda i: (i, 0))
    return pl.pallas_call(
        _qkv_body,
        grid=(S // bm,),
        in_specs=[mspec, pl.BlockSpec((1, D), lambda i: (0, 0)),
                  wspec, wspec, wspec],
        out_specs=[mspec, mspec, mspec],
        out_shape=[jax.ShapeDtypeStruct((S, D), jnp.bfloat16)] * 3,
    )(x, ln1_w.reshape(1, D), Wq, Wk, Wv)


def _attn_body(q_ref, k_ref, v_ref, o_ref, *, scale):
    q2 = q_ref[...]
    k2 = k_ref[...]
    v2 = v_ref[...]

    def one(qh, kh):
        s = lax.dot_general(qh, kh, (((1,), (1,)), ((), ())),
                            preferred_element_type=jnp.float32) * scale
        m = jnp.max(s, axis=-1, keepdims=True)
        p = jnp.exp(s - m)
        den = jnp.sum(p, axis=-1, keepdims=True)
        return p.astype(jnp.bfloat16), den

    p_a, den_a = one(q2[:, :DH], k2[:, :DH])
    p_b, den_b = one(q2[:, DH:], k2[:, DH:])
    o_a = jnp.dot(p_a, v2[:, :DH], preferred_element_type=jnp.float32) / den_a
    o_b = jnp.dot(p_b, v2[:, DH:], preferred_element_type=jnp.float32) / den_b
    o_ref[...] = jnp.concatenate([o_a, o_b], axis=1).astype(jnp.bfloat16)


def _attention(q, k, v, *, bq):
    return pl.pallas_call(
        functools.partial(_attn_body, scale=1.0 / (DH ** 0.5)),
        grid=(H // 2, S // bq),
        in_specs=[
            pl.BlockSpec((bq, 2 * DH), lambda g, i: (i, g)),
            pl.BlockSpec((S, 2 * DH), lambda g, i: (0, g)),
            pl.BlockSpec((S, 2 * DH), lambda g, i: (0, g)),
        ],
        out_specs=pl.BlockSpec((bq, 2 * DH), lambda g, i: (i, g)),
        out_shape=jax.ShapeDtypeStruct((S, D), jnp.bfloat16),
    )(q, k, v)


def _router_math(logits, w1_ref, w2_ref, d1_ref, d2_ref, be_ref, loss_ref):
    m = jnp.max(logits, axis=-1, keepdims=True)
    ex = jnp.exp(logits - m)
    den = jnp.sum(ex, axis=-1, keepdims=True)
    probs = ex / den

    cols = lax.broadcasted_iota(jnp.int32, (S, E), 1)
    i1 = jnp.argmax(probs, axis=-1)[:, None]
    w1 = jnp.max(probs, axis=-1, keepdims=True)
    oh1 = cols == i1
    masked = jnp.where(oh1, -jnp.inf, probs)
    i2 = jnp.argmax(masked, axis=-1)[:, None]
    w2 = jnp.max(masked, axis=-1, keepdims=True)
    oh2 = cols == i2
    tot = w1 + w2
    w1_ref[...] = w1 / tot
    w2_ref[...] = w2 / tot

    ind = jnp.logical_or(oh1, oh2).astype(jnp.bfloat16)

    C = 256
    r_io = lax.broadcasted_iota(jnp.int32, (C, C), 0)
    c_io = lax.broadcasted_iota(jnp.int32, (C, C), 1)
    tril = (c_io < r_io).astype(jnp.bfloat16)
    base = jnp.zeros((1, E), jnp.float32)
    chunks = []
    for i in range(S // C):
        ic = lax.slice(ind, (i * C, 0), ((i + 1) * C, E))
        chunks.append(jnp.dot(tril, ic, preferred_element_type=jnp.float32)
                      + base)
        base = base + jnp.sum(ic.astype(jnp.float32), axis=0, keepdims=True)
    pos = jnp.concatenate(chunks, axis=0)
    counts = base

    nbp = jnp.ceil(counts / BM) * BM
    e_r = lax.broadcasted_iota(jnp.int32, (E, E), 0)
    e_c = lax.broadcasted_iota(jnp.int32, (E, E), 1)
    triu = (e_r < e_c).astype(jnp.float32)
    off = jnp.dot(nbp, triu, preferred_element_type=jnp.float32)

    dest = off + pos
    d1_ref[...] = jnp.sum(jnp.where(oh1, dest, 0.0), axis=1,
                          keepdims=True).astype(jnp.int32)
    d2_ref[...] = jnp.sum(jnp.where(oh2, dest, 0.0), axis=1,
                          keepdims=True).astype(jnp.int32)

    bstart = lax.broadcasted_iota(jnp.int32, (NBLK_PAD, 1), 0).astype(
        jnp.float32) * BM
    inblk = jnp.logical_and(bstart >= off, bstart < off + nbp)
    ecols = lax.broadcasted_iota(jnp.int32, (NBLK_PAD, E), 1).astype(jnp.float32)
    be = jnp.sum(jnp.where(inblk, ecols + 1.0, 0.0), axis=1, keepdims=True) - 1.0
    be_ref[...] = be.astype(jnp.int32)

    z = jnp.log(den[:, 0]) + m[:, 0]
    z_loss = Z_COEF * jnp.mean(z * z)
    f = counts[0] / S
    P = jnp.mean(probs, axis=0)
    loss_ref[...] = (E * jnp.sum(f * P) + z_loss).reshape(1, 1)


def _postr_body(ao_ref, x_ref, wo_ref, ln_ref, wr_ref,
                x2_ref, h2_ref, w1_ref, w2_ref, d1_ref, d2_ref, be_ref,
                loss_ref, lg_scr, *, bm):
    i = pl.program_id(0)
    x2 = x_ref[...] + jnp.dot(ao_ref[...], wo_ref[...].astype(jnp.bfloat16),
                              preferred_element_type=jnp.float32)
    h2 = _rmsnorm(x2, ln_ref[...])
    x2_ref[...] = x2
    h2_ref[...] = h2
    lg_scr[pl.ds(i * bm, bm), :] = jnp.dot(
        h2, wr_ref[...], preferred_element_type=jnp.float32)

    @pl.when(i == S // bm - 1)
    def _():
        _router_math(lg_scr[...], w1_ref, w2_ref, d1_ref, d2_ref, be_ref,
                     loss_ref)


def _post_router(ao, x, Wo, ln2_w, Wr, *, bm):
    full = lambda i: (0, 0)
    return pl.pallas_call(
        functools.partial(_postr_body, bm=bm),
        grid=(S // bm,),
        in_specs=[
            pl.BlockSpec((bm, D), lambda i: (i, 0)),
            pl.BlockSpec((bm, D), lambda i: (i, 0)),
            pl.BlockSpec((D, D), full),
            pl.BlockSpec((1, D), full),
            pl.BlockSpec((D, E), full),
        ],
        out_specs=[
            pl.BlockSpec((bm, D), lambda i: (i, 0)),
            pl.BlockSpec((bm, D), lambda i: (i, 0)),
            pl.BlockSpec((S, 1), full),
            pl.BlockSpec((S, 1), full),
            pl.BlockSpec((S, 1), full),
            pl.BlockSpec((S, 1), full),
            pl.BlockSpec((NBLK_PAD, 1), full),
            pl.BlockSpec((1, 1), full),
        ],
        out_shape=[
            jax.ShapeDtypeStruct((S, D), jnp.float32),
            jax.ShapeDtypeStruct((S, D), jnp.float32),
            jax.ShapeDtypeStruct((S, 1), jnp.float32),
            jax.ShapeDtypeStruct((S, 1), jnp.float32),
            jax.ShapeDtypeStruct((S, 1), jnp.int32),
            jax.ShapeDtypeStruct((S, 1), jnp.int32),
            jax.ShapeDtypeStruct((NBLK_PAD, 1), jnp.int32),
            jax.ShapeDtypeStruct((1, 1), jnp.float32),
        ],
        scratch_shapes=[pltpu.VMEM((S, E), jnp.float32)],
    )(ao, x, Wo, ln2_w.reshape(1, D), Wr)


def _sc_mesh():
    return plsc.VectorSubcoreMesh(core_axis_name="c", subcore_axis_name="s")


def _sc_dispatch(h2, d1, d2):
    @functools.partial(
        pl.kernel,
        out_type=jax.ShapeDtypeStruct((RPAD, D), jnp.float32),
        mesh=_sc_mesh(),
        scratch_types=[
            pltpu.VMEM((TPW,), jnp.int32),
            pltpu.VMEM((TPW,), jnp.int32),
            pltpu.VMEM((TPW, D), jnp.float32),
            pltpu.SemaphoreType.DMA,
            pltpu.SemaphoreType.DMA,
        ],
    )
    def dispatch(h2_hbm, d1_hbm, d2_hbm, sorted_hbm,
                 idx1_v, idx2_v, rows_v, sem1, sem2):
        wid = lax.axis_index("s") * NC + lax.axis_index("c")
        base = wid * TPW
        pltpu.sync_copy(h2_hbm.at[pl.ds(base, TPW)], rows_v)
        pltpu.sync_copy(d1_hbm.at[pl.ds(base, TPW)], idx1_v)
        pltpu.sync_copy(d2_hbm.at[pl.ds(base, TPW)], idx2_v)
        cp1 = pltpu.async_copy(rows_v, sorted_hbm.at[idx1_v], sem1)
        cp2 = pltpu.async_copy(rows_v, sorted_hbm.at[idx2_v], sem2)
        cp1.wait()
        cp2.wait()

    return dispatch(h2, d1, d2)


def _moe_body(be_ref, x_ref, w1_ref, w2_ref, y_ref):
    b = pl.program_id(0)

    @pl.when(be_ref[b] >= 0)
    def _():
        xb = x_ref[...].astype(jnp.bfloat16)
        CF = 512
        hs = []
        for f0 in range(0, F, CF):
            w1c = w1_ref[0, :, f0:f0 + CF].astype(jnp.bfloat16)
            hs.append(jnp.dot(xb, w1c, preferred_element_type=jnp.float32))
        hx = jax.nn.gelu(jnp.concatenate(hs, axis=1)).astype(jnp.bfloat16)
        acc = jnp.zeros((BM, D), jnp.float32)
        for f0 in range(0, F, CF):
            w2c = w2_ref[0, f0:f0 + CF, :].astype(jnp.bfloat16)
            acc = acc + jnp.dot(hx[:, f0:f0 + CF], w2c,
                                preferred_element_type=jnp.float32)
        y_ref[...] = acc


def _moe(be, sorted_x, W1, W2):
    grid_spec = pltpu.PrefetchScalarGridSpec(
        num_scalar_prefetch=1,
        grid=(NBLK,),
        in_specs=[
            pl.BlockSpec((BM, D), lambda b, be: (b, 0)),
            pl.BlockSpec((1, D, F), lambda b, be: (jnp.maximum(be[b], 0), 0, 0)),
            pl.BlockSpec((1, F, D), lambda b, be: (jnp.maximum(be[b], 0), 0, 0)),
        ],
        out_specs=pl.BlockSpec((BM, D), lambda b, be: (b, 0)),
    )
    return pl.pallas_call(
        _moe_body,
        grid_spec=grid_spec,
        out_shape=jax.ShapeDtypeStruct((RPAD, D), jnp.float32),
    )(be, sorted_x, W1, W2)


def _sc_collect(y, d1, d2):
    @functools.partial(
        pl.kernel,
        out_type=(jax.ShapeDtypeStruct((S, D), jnp.float32),
                  jax.ShapeDtypeStruct((S, D), jnp.float32)),
        mesh=_sc_mesh(),
        scratch_types=[
            pltpu.VMEM((TPW,), jnp.int32),
            pltpu.VMEM((TPW,), jnp.int32),
            pltpu.VMEM((TPW, D), jnp.float32),
            pltpu.SemaphoreType.DMA,
        ],
    )
    def collect(y_hbm, d1_hbm, d2_hbm, y1_hbm, y2_hbm,
                idx1_v, idx2_v, rows_v, sem):
        wid = lax.axis_index("s") * NC + lax.axis_index("c")
        base = wid * TPW
        pltpu.sync_copy(d1_hbm.at[pl.ds(base, TPW)], idx1_v)
        pltpu.sync_copy(d2_hbm.at[pl.ds(base, TPW)], idx2_v)
        pltpu.async_copy(y_hbm.at[idx1_v], rows_v, sem).wait()
        pltpu.sync_copy(rows_v, y1_hbm.at[pl.ds(base, TPW)])
        pltpu.async_copy(y_hbm.at[idx2_v], rows_v, sem).wait()
        pltpu.sync_copy(rows_v, y2_hbm.at[pl.ds(base, TPW)])

    return collect(y, d1, d2)


def _combine_body(x2_ref, y1_ref, y2_ref, w1_ref, w2_ref, o_ref):
    o_ref[...] = (x2_ref[...] + w1_ref[...] * y1_ref[...]
                  + w2_ref[...] * y2_ref[...])


def _combine(x2, y1, y2, w1n, w2n, *, bm):
    return pl.pallas_call(
        _combine_body,
        grid=(S // bm,),
        in_specs=[
            pl.BlockSpec((bm, D), lambda i: (i, 0)),
            pl.BlockSpec((bm, D), lambda i: (i, 0)),
            pl.BlockSpec((bm, D), lambda i: (i, 0)),
            pl.BlockSpec((bm, 1), lambda i: (i, 0)),
            pl.BlockSpec((bm, 1), lambda i: (i, 0)),
        ],
        out_specs=pl.BlockSpec((bm, D), lambda i: (i, 0)),
        out_shape=jax.ShapeDtypeStruct((S, D), jnp.float32),
    )(x2, y1, y2, w1n, w2n)


def kernel(x, ln1_w, ln2_w, Wq, Wk, Wv, Wo, Wr, W1, W2):
    B = x.shape[0]
    xs = x.reshape(S, D)

    Wqb = Wq.astype(jnp.bfloat16)
    Wkb = Wk.astype(jnp.bfloat16)
    Wvb = Wv.astype(jnp.bfloat16)

    q, k, v = _qkv(xs, ln1_w, Wqb, Wkb, Wvb, bm=256)
    ao = _attention(q, k, v, bq=512)

    x2, h2, w1n, w2n, d1, d2, be, loss = _post_router(
        ao, xs, Wo, ln2_w, Wr, bm=256)
    d1r = d1.reshape(S)
    d2r = d2.reshape(S)

    sorted_x = _sc_dispatch(h2, d1r, d2r)
    y = _moe(be.reshape(NBLK_PAD), sorted_x, W1, W2)
    y1, y2 = _sc_collect(y, d1r, d2r)

    out = _combine(x2, y1, y2, w1n, w2n, bm=256)
    return (out.reshape(B, S, D), loss.reshape(()))

# --- scband reference (transcript-rebuilt; emitter-appended) ---
"""Pipeline reference for scband-lla-dablock-19224273617624 (READ-ONLY COPY).

The authoritative reference and input builder live on the scoring server;
editing this copy changes nothing except your own understanding.
"""

import jax, jax.numpy as jnp
import numpy as np

B, S, D, H, E, K, F = 1, 2048, 1024, 16, 8, 2, 1536
DH = D // H
EPS = 1e-5
Z_LOSS_COEF = 0.001


def setup_inputs(seed: int = 0) -> dict:
    key = jax.random.key(seed)
    ks = jax.random.split(key, 10)
    def p(k, shape, s=0.02):
        return jax.random.normal(k, shape, dtype=jnp.float32) * s
    return {
        "x": jax.random.normal(ks[0], (B, S, D), dtype=jnp.float32),
        "ln1_w": jnp.ones((D,), jnp.float32),
        "ln2_w": jnp.ones((D,), jnp.float32),
        "Wq": p(ks[1], (D, D)),
        "Wk": p(ks[2], (D, D)),
        "Wv": p(ks[3], (D, D)),
        "Wo": p(ks[4], (D, D)),
        "Wr": p(ks[5], (D, E)),
        "W1": p(ks[6], (E, D, F)),
        "W2": p(ks[7], (E, F, D)),
    }


def _rms(v, w):
    return v * jax.lax.rsqrt(jnp.mean(v * v, axis=-1, keepdims=True) + EPS) * w


def reference(x, ln1_w, ln2_w, Wq, Wk, Wv, Wo, Wr, W1, W2):
    # --- attention sub-block (bidirectional, non-causal) ---
    resid_attn = x
    h1 = _rms(x, ln1_w)
    q = (h1 @ Wq).reshape(B, S, H, DH).transpose(0, 2, 1, 3)
    k = (h1 @ Wk).reshape(B, S, H, DH).transpose(0, 2, 1, 3)
    v = (h1 @ Wv).reshape(B, S, H, DH).transpose(0, 2, 1, 3)
    scores = jnp.einsum('bhqd,bhkd->bhqk', q, k) / jnp.sqrt(jnp.float32(DH))
    attn = jax.nn.softmax(scores, axis=-1)
    ao = jnp.einsum('bhqk,bhkd->bhqd', attn, v)
    ao = ao.transpose(0, 2, 1, 3).reshape(B, S, D) @ Wo
    x = resid_attn + ao

    # --- MoE sub-block ---
    resid_moe = x
    h2 = _rms(x, ln2_w)
    logits = h2 @ Wr  # [B, S, E]
    probs = jax.nn.softmax(logits, axis=-1)
    topv, topi = jax.lax.top_k(probs, K)
    topv = topv / jnp.sum(topv, axis=-1, keepdims=True)
    # dense routing weights [B, S, E] (zeros for non-selected experts)
    rw = jnp.sum(jax.nn.one_hot(topi, E, dtype=h2.dtype) * topv[..., None], axis=-2)
    # router z-loss + load-balancing aux loss
    z = jax.nn.logsumexp(logits, axis=-1)
    z_loss = Z_LOSS_COEF * jnp.mean(z * z)
    f = jnp.mean((rw > 0).astype(h2.dtype).reshape(-1, E), axis=0)
    P = jnp.mean(probs.reshape(-1, E), axis=0)
    router_loss = E * jnp.sum(f * P) + z_loss
    # expert group: per-expert MLP with GELU, combined by routing weights
    hexp = jax.nn.gelu(jnp.einsum('bsd,edf->bsef', h2, W1))
    y = jnp.einsum('bsef,efd->bsed', hexp, W2)
    moe_out = jnp.einsum('bsed,bse->bsd', y, rw)
    out = resid_moe + moe_out
    present_key_value = None
    return (out, router_loss)

if __name__ == "__main__":
    import jax
    _d = setup_inputs()
    print(jax.jit(kernel)(*tuple(_d.values())))

</pallas_src>

<mosaic_0001>
#map = affine_map<(d0, d1) -> (0, 0)>
#map1 = affine_map<(d0, d1) -> (0)>
module attributes {stable_mosaic.version = 14 : i64} {
  func.func @dispatch(%arg0: i32, %arg1: i32, %arg2: memref<2048x1024xf32, #tpu.memory_space<hbm>>, %arg3: memref<2048xi32, #tpu.memory_space<hbm>>, %arg4: memref<2048xi32, #tpu.memory_space<hbm>>, %arg5: memref<6144x1024xf32, #tpu.memory_space<hbm>>, %arg6: memref<64xi32, #tpu.memory_space<vmem>>, %arg7: memref<64xi32, #tpu.memory_space<vmem>>, %arg8: memref<64x1024xf32, #tpu.memory_space<vmem>>, %arg9: memref<!tpu.dma_semaphore, #tpu.memory_space<semaphore_mem>>, %arg10: memref<!tpu.dma_semaphore, #tpu.memory_space<semaphore_mem>>) attributes {dimension_semantics = [#tpu.dimension_semantics<core_parallel>, #tpu.dimension_semantics<subcore_parallel>], iteration_bounds = array<i64: 2, 16>, scalar_prefetch = 0 : i64, scratch_operands = 5 : i64, tpu.core_type = #tpu.core_type<sc_vector_subcore>, window_params = [{transform_indices = #map}, {transform_indices = #map1}, {transform_indices = #map1}, {transform_indices = #map}]} {
    %mul3A = arith.constant 2 : i32
    %mul3A_0 = arith.muli %arg1, %mul3A : i32
    %add3A = arith.addi %mul3A_0, %arg0 : i32
    %mul3A_1 = arith.constant 64 : i32
    %mul3A_2 = arith.muli %add3A, %mul3A_1 : i32
    "tpu.region"() ({
      %run_scoped3A = tpu.sem_alloc : memref<!tpu.dma_semaphore, #tpu.memory_space<semaphore_mem>>
      %dma_start3A_13 = arith.constant 0 : i32
      %dma_start3A_14 = tpu.memref_slice %arg2[%mul3A_2, %dma_start3A_13] : memref<2048x1024xf32, #tpu.memory_space<hbm>> -> memref<64x1024xf32, #tpu.memory_space<hbm>>
      %dma_start3A_15 = arith.constant 0 : i32
      %dma_start3A_16 = tpu.memref_slice %arg2[%mul3A_2, %dma_start3A_15] : memref<2048x1024xf32, #tpu.memory_space<hbm>> -> memref<64x1024xf32, #tpu.memory_space<hbm>>
      tpu.enqueue_dma source(%dma_start3A_16 : memref<64x1024xf32, #tpu.memory_space<hbm>>) target(%arg8 : memref<64x1024xf32, #tpu.memory_space<vmem>>) target_semaphore(%run_scoped3A : memref<!tpu.dma_semaphore, #tpu.memory_space<semaphore_mem>>)
      %dma_wait3A_17 = arith.constant 0 : i32
      %dma_wait3A_18 = tpu.memref_slice %arg2[%mul3A_2, %dma_wait3A_17] : memref<2048x1024xf32, #tpu.memory_space<hbm>> -> memref<64x1024xf32, #tpu.memory_space<hbm>>
      %dma_wait3A_19 = arith.constant 0 : i32
      %dma_wait3A_20 = tpu.memref_slice %arg2[%mul3A_2, %dma_wait3A_19] : memref<2048x1024xf32, #tpu.memory_space<hbm>> -> memref<64x1024xf32, #tpu.memory_space<hbm>>
      tpu.wait_dma2 semaphore(%run_scoped3A : memref<!tpu.dma_semaphore, #tpu.memory_space<semaphore_mem>>) src(%dma_wait3A_20 : memref<64x1024xf32, #tpu.memory_space<hbm>>) dst(%arg8 : memref<64x1024xf32, #tpu.memory_space<vmem>>)
      tpu.yield
    }) : () -> ()
    "tpu.region"() ({
      %run_scoped3A = tpu.sem_alloc : memref<!tpu.dma_semaphore, #tpu.memory_space<semaphore_mem>>
      %dma_start3A_13 = tpu.memref_slice %arg3[%mul3A_2] : memref<2048xi32, #tpu.memory_space<hbm>> -> memref<64xi32, #tpu.memory_space<hbm>>
      %dma_start3A_14 = tpu.memref_slice %arg3[%mul3A_2] : memref<2048xi32, #tpu.memory_space<hbm>> -> memref<64xi32, #tpu.memory_space<hbm>>
      tpu.enqueue_dma source(%dma_start3A_14 : memref<64xi32, #tpu.memory_space<hbm>>) target(%arg6 : memref<64xi32, #tpu.memory_space<vmem>>) target_semaphore(%run_scoped3A : memref<!tpu.dma_semaphore, #tpu.memory_space<semaphore_mem>>)
      %dma_wait3A_15 = tpu.memref_slice %arg3[%mul3A_2] : memref<2048xi32, #tpu.memory_space<hbm>> -> memref<64xi32, #tpu.memory_space<hbm>>
      %dma_wait3A_16 = tpu.memref_slice %arg3[%mul3A_2] : memref<2048xi32, #tpu.memory_space<hbm>> -> memref<64xi32, #tpu.memory_space<hbm>>
      tpu.wait_dma2 semaphore(%run_scoped3A : memref<!tpu.dma_semaphore, #tpu.memory_space<semaphore_mem>>) src(%dma_wait3A_16 : memref<64xi32, #tpu.memory_space<hbm>>) dst(%arg6 : memref<64xi32, #tpu.memory_space<vmem>>)
      tpu.yield
    }) : () -> ()
    "tpu.region"() ({
      %run_scoped3A = tpu.sem_alloc : memref<!tpu.dma_semaphore, #tpu.memory_space<semaphore_mem>>
      %dma_start3A_13 = tpu.memref_slice %arg4[%mul3A_2] : memref<2048xi32, #tpu.memory_space<hbm>> -> memref<64xi32, #tpu.memory_space<hbm>>
      %dma_start3A_14 = tpu.memref_slice %arg4[%mul3A_2] : memref<2048xi32, #tpu.memory_space<hbm>> -> memref<64xi32, #tpu.memory_space<hbm>>
      tpu.enqueue_dma source(%dma_start3A_14 : memref<64xi32, #tpu.memory_space<hbm>>) target(%arg7 : memref<64xi32, #tpu.memory_space<vmem>>) target_semaphore(%run_scoped3A : memref<!tpu.dma_semaphore, #tpu.memory_space<semaphore_mem>>)
      %dma_wait3A_15 = tpu.memref_slice %arg4[%mul3A_2] : memref<2048xi32, #tpu.memory_space<hbm>> -> memref<64xi32, #tpu.memory_space<hbm>>
      %dma_wait3A_16 = tpu.memref_slice %arg4[%mul3A_2] : memref<2048xi32, #tpu.memory_space<hbm>> -> memref<64xi32, #tpu.memory_space<hbm>>
      tpu.wait_dma2 semaphore(%run_scoped3A : memref<!tpu.dma_semaphore, #tpu.memory_space<semaphore_mem>>) src(%dma_wait3A_16 : memref<64xi32, #tpu.memory_space<hbm>>) dst(%arg7 : memref<64xi32, #tpu.memory_space<vmem>>)
      tpu.yield
    }) : () -> ()
    %dma_start3A = arith.constant 0 : i32
    %dma_start3A_3 = arith.constant 0 : i32
    %dma_start3A_4 = tpu.memref_slice %arg5[%dma_start3A, %dma_start3A_3] : memref<6144x1024xf32, #tpu.memory_space<hbm>> -> memref<6144x1024xf32, #tpu.memory_space<hbm>>
    tpu.enqueue_indirect_dma source(%arg8 : memref<64x1024xf32, #tpu.memory_space<vmem>>) target(%dma_start3A_4 : memref<6144x1024xf32, #tpu.memory_space<hbm>>) offsets(%arg6 : memref<64xi32, #tpu.memory_space<vmem>>) semaphore(%arg9 : memref<!tpu.dma_semaphore, #tpu.memory_space<semaphore_mem>>)
    %dma_start3A_5 = arith.constant 0 : i32
    %dma_start3A_6 = arith.constant 0 : i32
    %dma_start3A_7 = tpu.memref_slice %arg5[%dma_start3A_5, %dma_start3A_6] : memref<6144x1024xf32, #tpu.memory_space<hbm>> -> memref<6144x1024xf32, #tpu.memory_space<hbm>>
    tpu.enqueue_indirect_dma source(%arg8 : memref<64x1024xf32, #tpu.memory_space<vmem>>) target(%dma_start3A_7 : memref<6144x1024xf32, #tpu.memory_space<hbm>>) offsets(%arg7 : memref<64xi32, #tpu.memory_space<vmem>>) semaphore(%arg10 : memref<!tpu.dma_semaphore, #tpu.memory_space<semaphore_mem>>)
    %dma_wait3A = arith.constant 0 : i32
    %dma_wait3A_8 = arith.constant 0 : i32
    %dma_wait3A_9 = tpu.memref_slice %arg5[%dma_wait3A, %dma_wait3A_8] : memref<6144x1024xf32, #tpu.memory_space<hbm>> -> memref<6144x1024xf32, #tpu.memory_space<hbm>>
    tpu.wait_indirect_dma semaphore(%arg9 : memref<!tpu.dma_semaphore, #tpu.memory_space<semaphore_mem>>) src(%arg8 : memref<64x1024xf32, #tpu.memory_space<vmem>>) dst(%dma_wait3A_9 : memref<6144x1024xf32, #tpu.memory_space<hbm>>)
    %dma_wait3A_10 = arith.constant 0 : i32
    %dma_wait3A_11 = arith.constant 0 : i32
    %dma_wait3A_12 = tpu.memref_slice %arg5[%dma_wait3A_10, %dma_wait3A_11] : memref<6144x1024xf32, #tpu.memory_space<hbm>> -> memref<6144x1024xf32, #tpu.memory_space<hbm>>
    tpu.wait_indirect_dma semaphore(%arg10 : memref<!tpu.dma_semaphore, #tpu.memory_space<semaphore_mem>>) src(%arg8 : memref<64x1024xf32, #tpu.memory_space<vmem>>) dst(%dma_wait3A_12 : memref<6144x1024xf32, #tpu.memory_space<hbm>>)
    return
  }
}

#map = affine_map<(d0, d1) -> (0, 0)>
#map1 = affine_map<(d0, d1) -> (0)>
module attributes {stable_mosaic.version = 14 : i64} {
  func.func @collect(%arg0: i32, %arg1: i32, %arg2: memref<6144x1024xf32, #tpu.memory_space<hbm>>, %arg3: memref<2048xi32, #tpu.memory_space<hbm>>, %arg4: memref<2048xi32, #tpu.memory_space<hbm>>, %arg5: memref<2048x1024xf32, #tpu.memory_space<hbm>>, %arg6: memref<2048x1024xf32, #tpu.memory_space<hbm>>, %arg7: memref<64xi32, #tpu.memory_space<vmem>>, %arg8: memref<64xi32, #tpu.memory_space<vmem>>, %arg9: memref<64x1024xf32, #tpu.memory_space<vmem>>, %arg10: memref<!tpu.dma_semaphore, #tpu.memory_space<semaphore_mem>>) attributes {dimension_semantics = [#tpu.dimension_semantics<core_parallel>, #tpu.dimension_semantics<subcore_parallel>], iteration_bounds = array<i64: 2, 16>, scalar_prefetch = 0 : i64, scratch_operands = 4 : i64, tpu.core_type = #tpu.core_type<sc_vector_subcore>, window_params = [{transform_indices = #map}, {transform_indices = #map1}, {transform_indices = #map1}, {transform_indices = #map}, {transform_indices = #map}]} {
    %mul3A = arith.constant 2 : i32
    %mul3A_0 = arith.muli %arg1, %mul3A : i32
    %add3A = arith.addi %mul3A_0, %arg0 : i32
    %mul3A_1 = arith.constant 64 : i32
    %mul3A_2 = arith.muli %add3A, %mul3A_1 : i32
    "tpu.region"() ({
      %run_scoped3A = tpu.sem_alloc : memref<!tpu.dma_semaphore, #tpu.memory_space<semaphore_mem>>
      %dma_start3A_13 = tpu.memref_slice %arg3[%mul3A_2] : memref<2048xi32, #tpu.memory_space<hbm>> -> memref<64xi32, #tpu.memory_space<hbm>>
      %dma_start3A_14 = tpu.memref_slice %arg3[%mul3A_2] : memref<2048xi32, #tpu.memory_space<hbm>> -> memref<64xi32, #tpu.memory_space<hbm>>
      tpu.enqueue_dma source(%dma_start3A_14 : memref<64xi32, #tpu.memory_space<hbm>>) target(%arg7 : memref<64xi32, #tpu.memory_space<vmem>>) target_semaphore(%run_scoped3A : memref<!tpu.dma_semaphore, #tpu.memory_space<semaphore_mem>>)
      %dma_wait3A_15 = tpu.memref_slice %arg3[%mul3A_2] : memref<2048xi32, #tpu.memory_space<hbm>> -> memref<64xi32, #tpu.memory_space<hbm>>
      %dma_wait3A_16 = tpu.memref_slice %arg3[%mul3A_2] : memref<2048xi32, #tpu.memory_space<hbm>> -> memref<64xi32, #tpu.memory_space<hbm>>
      tpu.wait_dma2 semaphore(%run_scoped3A : memref<!tpu.dma_semaphore, #tpu.memory_space<semaphore_mem>>) src(%dma_wait3A_16 : memref<64xi32, #tpu.memory_space<hbm>>) dst(%arg7 : memref<64xi32, #tpu.memory_space<vmem>>)
      tpu.yield
    }) : () -> ()
    "tpu.region"() ({
      %run_scoped3A = tpu.sem_alloc : memref<!tpu.dma_semaphore, #tpu.memory_space<semaphore_mem>>
      %dma_start3A_13 = tpu.memref_slice %arg4[%mul3A_2] : memref<2048xi32, #tpu.memory_space<hbm>> -> memref<64xi32, #tpu.memory_space<hbm>>
      %dma_start3A_14 = tpu.memref_slice %arg4[%mul3A_2] : memref<2048xi32, #tpu.memory_space<hbm>> -> memref<64xi32, #tpu.memory_space<hbm>>
      tpu.enqueue_dma source(%dma_start3A_14 : memref<64xi32, #tpu.memory_space<hbm>>) target(%arg8 : memref<64xi32, #tpu.memory_space<vmem>>) target_semaphore(%run_scoped3A : memref<!tpu.dma_semaphore, #tpu.memory_space<semaphore_mem>>)
      %dma_wait3A_15 = tpu.memref_slice %arg4[%mul3A_2] : memref<2048xi32, #tpu.memory_space<hbm>> -> memref<64xi32, #tpu.memory_space<hbm>>
      %dma_wait3A_16 = tpu.memref_slice %arg4[%mul3A_2] : memref<2048xi32, #tpu.memory_space<hbm>> -> memref<64xi32, #tpu.memory_space<hbm>>
      tpu.wait_dma2 semaphore(%run_scoped3A : memref<!tpu.dma_semaphore, #tpu.memory_space<semaphore_mem>>) src(%dma_wait3A_16 : memref<64xi32, #tpu.memory_space<hbm>>) dst(%arg8 : memref<64xi32, #tpu.memory_space<vmem>>)
      tpu.yield
    }) : () -> ()
    %dma_start3A = arith.constant 0 : i32
    %dma_start3A_3 = arith.constant 0 : i32
    %dma_start3A_4 = tpu.memref_slice %arg2[%dma_start3A, %dma_start3A_3] : memref<6144x1024xf32, #tpu.memory_space<hbm>> -> memref<6144x1024xf32, #tpu.memory_space<hbm>>
    tpu.enqueue_indirect_dma source(%dma_start3A_4 : memref<6144x1024xf32, #tpu.memory_space<hbm>>) target(%arg9 : memref<64x1024xf32, #tpu.memory_space<vmem>>) offsets(%arg7 : memref<64xi32, #tpu.memory_space<vmem>>) semaphore(%arg10 : memref<!tpu.dma_semaphore, #tpu.memory_space<semaphore_mem>>)
    %dma_wait3A = arith.constant 0 : i32
    %dma_wait3A_5 = arith.constant 0 : i32
    %dma_wait3A_6 = tpu.memref_slice %arg2[%dma_wait3A, %dma_wait3A_5] : memref<6144x1024xf32, #tpu.memory_space<hbm>> -> memref<6144x1024xf32, #tpu.memory_space<hbm>>
    tpu.wait_indirect_dma semaphore(%arg10 : memref<!tpu.dma_semaphore, #tpu.memory_space<semaphore_mem>>) src(%dma_wait3A_6 : memref<6144x1024xf32, #tpu.memory_space<hbm>>) dst(%arg9 : memref<64x1024xf32, #tpu.memory_space<vmem>>)
    "tpu.region"() ({
      %run_scoped3A = tpu.sem_alloc : memref<!tpu.dma_semaphore, #tpu.memory_space<semaphore_mem>>
      %dma_start3A_13 = arith.constant 0 : i32
      %dma_start3A_14 = tpu.memref_slice %arg5[%mul3A_2, %dma_start3A_13] : memref<2048x1024xf32, #tpu.memory_space<hbm>> -> memref<64x1024xf32, #tpu.memory_space<hbm>>
      %dma_start3A_15 = arith.constant 0 : i32
      %dma_start3A_16 = tpu.memref_slice %arg5[%mul3A_2, %dma_start3A_15] : memref<2048x1024xf32, #tpu.memory_space<hbm>> -> memref<64x1024xf32, #tpu.memory_space<hbm>>
      tpu.enqueue_dma source(%arg9 : memref<64x1024xf32, #tpu.memory_space<vmem>>) target(%dma_start3A_16 : memref<64x1024xf32, #tpu.memory_space<hbm>>) target_semaphore(%run_scoped3A : memref<!tpu.dma_semaphore, #tpu.memory_space<semaphore_mem>>)
      %dma_wait3A_17 = arith.constant 0 : i32
      %dma_wait3A_18 = tpu.memref_slice %arg5[%mul3A_2, %dma_wait3A_17] : memref<2048x1024xf32, #tpu.memory_space<hbm>> -> memref<64x1024xf32, #tpu.memory_space<hbm>>
      %dma_wait3A_19 = arith.constant 0 : i32
      %dma_wait3A_20 = tpu.memref_slice %arg5[%mul3A_2, %dma_wait3A_19] : memref<2048x1024xf32, #tpu.memory_space<hbm>> -> memref<64x1024xf32, #tpu.memory_space<hbm>>
      tpu.wait_dma2 semaphore(%run_scoped3A : memref<!tpu.dma_semaphore, #tpu.memory_space<semaphore_mem>>) src(%arg9 : memref<64x1024xf32, #tpu.memory_space<vmem>>) dst(%dma_wait3A_20 : memref<64x1024xf32, #tpu.memory_space<hbm>>)
      tpu.yield
    }) : () -> ()
    %dma_start3A_7 = arith.constant 0 : i32
    %dma_start3A_8 = arith.constant 0 : i32
    %dma_start3A_9 = tpu.memref_slice %arg2[%dma_start3A_7, %dma_start3A_8] : memref<6144x1024xf32, #tpu.memory_space<hbm>> -> memref<6144x1024xf32, #tpu.memory_space<hbm>>
    tpu.enqueue_indirect_dma source(%dma_start3A_9 : memref<6144x1024xf32, #tpu.memory_space<hbm>>) target(%arg9 : memref<64x1024xf32, #tpu.memory_space<vmem>>) offsets(%arg8 : memref<64xi32, #tpu.memory_space<vmem>>) semaphore(%arg10 : memref<!tpu.dma_semaphore, #tpu.memory_space<semaphore_mem>>)
    %dma_wait3A_10 = arith.constant 0 : i32
    %dma_wait3A_11 = arith.constant 0 : i32
    %dma_wait3A_12 = tpu.memref_slice %arg2[%dma_wait3A_10, %dma_wait3A_11] : memref<6144x1024xf32, #tpu.memory_space<hbm>> -> memref<6144x1024xf32, #tpu.memory_space<hbm>>
    tpu.wait_indirect_dma semaphore(%arg10 : memref<!tpu.dma_semaphore, #tpu.memory_space<semaphore_mem>>) src(%dma_wait3A_12 : memref<6144x1024xf32, #tpu.memory_space<hbm>>) dst(%arg9 : memref<64x1024xf32, #tpu.memory_space<vmem>>)
    "tpu.region"() ({
      %run_scoped3A = tpu.sem_alloc : memref<!tpu.dma_semaphore, #tpu.memory_space<semaphore_mem>>
      %dma_start3A_13 = arith.constant 0 : i32
      %dma_start3A_14 = tpu.memref_slice %arg6[%mul3A_2, %dma_start3A_13] : memref<2048x1024xf32, #tpu.memory_space<hbm>> -> memref<64x1024xf32, #tpu.memory_space<hbm>>
      %dma_start3A_15 = arith.constant 0 : i32
      %dma_start3A_16 = tpu.memref_slice %arg6[%mul3A_2, %dma_start3A_15] : memref<2048x1024xf32, #tpu.memory_space<hbm>> -> memref<64x1024xf32, #tpu.memory_space<hbm>>
      tpu.enqueue_dma source(%arg9 : memref<64x1024xf32, #tpu.memory_space<vmem>>) target(%dma_start3A_16 : memref<64x1024xf32, #tpu.memory_space<hbm>>) target_semaphore(%run_scoped3A : memref<!tpu.dma_semaphore, #tpu.memory_space<semaphore_mem>>)
      %dma_wait3A_17 = arith.constant 0 : i32
      %dma_wait3A_18 = tpu.memref_slice %arg6[%mul3A_2, %dma_wait3A_17] : memref<2048x1024xf32, #tpu.memory_space<hbm>> -> memref<64x1024xf32, #tpu.memory_space<hbm>>
      %dma_wait3A_19 = arith.constant 0 : i32
      %dma_wait3A_20 = tpu.memref_slice %arg6[%mul3A_2, %dma_wait3A_19] : memref<2048x1024xf32, #tpu.memory_space<hbm>> -> memref<64x1024xf32, #tpu.memory_space<hbm>>
      tpu.wait_dma2 semaphore(%run_scoped3A : memref<!tpu.dma_semaphore, #tpu.memory_space<semaphore_mem>>) src(%arg9 : memref<64x1024xf32, #tpu.memory_space<vmem>>) dst(%dma_wait3A_20 : memref<64x1024xf32, #tpu.memory_space<hbm>>)
      tpu.yield
    }) : () -> ()
    return
  }
}

module attributes {stable_mosaic.version = 14 : i64} {
  func.func @_qkv_body(%arg0: i32, %arg1: memref<256x1024xf32, #tpu.memory_space<vmem>>, %arg2: memref<1x1024xf32, #tpu.memory_space<vmem>>, %arg3: memref<1024x1024xbf16, #tpu.memory_space<vmem>>, %arg4: memref<1024x1024xbf16, #tpu.memory_space<vmem>>, %arg5: memref<1024x1024xbf16, #tpu.memory_space<vmem>>, %arg6: memref<256x1024xbf16, #tpu.memory_space<vmem>>, %arg7: memref<256x1024xbf16, #tpu.memory_space<vmem>>, %arg8: memref<256x1024xbf16, #tpu.memory_space<vmem>>) attributes {dimension_semantics = [#tpu.dimension_semantics<arbitrary>], iteration_bounds = array<i64: 8>, scalar_prefetch = 0 : i64, scratch_operands = 0 : i64, tpu.core_type = #tpu.core_type<tc>, window_params = [{transform_indices = @transform_0, window_bounds = array<i64: 256, 1024>}, {pipeline_mode = #tpu.pipeline_mode<synchronous>, transform_indices = @transform_1, window_bounds = array<i64: 1, 1024>}, {pipeline_mode = #tpu.pipeline_mode<synchronous>, transform_indices = @transform_2, window_bounds = array<i64: 1024, 1024>}, {pipeline_mode = #tpu.pipeline_mode<synchronous>, transform_indices = @transform_3, window_bounds = array<i64: 1024, 1024>}, {pipeline_mode = #tpu.pipeline_mode<synchronous>, transform_indices = @transform_4, window_bounds = array<i64: 1024, 1024>}, {transform_indices = @transform_5, window_bounds = array<i64: 256, 1024>}, {transform_indices = @transform_6, window_bounds = array<i64: 256, 1024>}, {transform_indices = @transform_7, window_bounds = array<i64: 256, 1024>}]} {
    %get3A = arith.constant 0 : index
    %get3A_0 = arith.constant 0 : index
    %get3A_1 = vector.load %arg1[%get3A, %get3A_0] : memref<256x1024xf32, #tpu.memory_space<vmem>>, vector<256x1024xf32>
    %get3A_2 = arith.constant 0 : index
    %get3A_3 = arith.constant 0 : index
    %get3A_4 = vector.load %arg2[%get3A_2, %get3A_3] : memref<1x1024xf32, #tpu.memory_space<vmem>>, vector<1x1024xf32>
    %mul3A = arith.mulf %get3A_1, %get3A_1 : vector<256x1024xf32>
    %reduce_sum3A = arith.constant dense<0.000000e+00> : vector<256xf32>
    %reduce_sum3A_5 = vector.multi_reduction <add>, %mul3A, %reduce_sum3A [1] : vector<256x1024xf32> to vector<256xf32>
    %broadcast_in_dim3A = vector.shape_cast %reduce_sum3A_5 : vector<256xf32> to vector<256x1xf32>
    %div3A = arith.constant 1.024000e+03 : f32
    %div3A_6 = vector.broadcast %div3A : f32 to vector<256x1xf32>
    %div3A_7 = arith.divf %broadcast_in_dim3A, %div3A_6 : vector<256x1xf32>
    %add3A = arith.constant 9.99999974E-6 : f32
    %add3A_8 = vector.broadcast %add3A : f32 to vector<256x1xf32>
    %add3A_9 = arith.addf %div3A_7, %add3A_8 : vector<256x1xf32>
    %rsqrt3A = math.rsqrt %add3A_9 : vector<256x1xf32>
    %mul3A_10 = vector.broadcast %rsqrt3A : vector<256x1xf32> to vector<256x1024xf32>
    %mul3A_11 = arith.mulf %get3A_1, %mul3A_10 : vector<256x1024xf32>
    %mul3A_12 = vector.broadcast %get3A_4 : vector<1x1024xf32> to vector<256x1024xf32>
    %mul3A_13 = arith.mulf %mul3A_11, %mul3A_12 : vector<256x1024xf32>
    %convert_element_type3A = arith.truncf %mul3A_13 : vector<256x1024xf32> to vector<256x1024xbf16>
    %get3A_14 = arith.constant 0 : index
    %get3A_15 = arith.constant 0 : index
    %get3A_16 = vector.load %arg3[%get3A_14, %get3A_15] : memref<1024x1024xbf16, #tpu.memory_space<vmem>>, vector<1024x1024xbf16>
    %dot_general3A = arith.constant dense<0.000000e+00> : vector<256x1024xf32>
    %dot_general3A_17 = tpu.matmul %convert_element_type3A, %get3A_16, %dot_general3A {dimension_numbers = #tpu.dot_dimension_numbers<[1], [0], [0], [1], [0, 0, 1, 1], [], []>, transpose_lhs_hint = false} : vector<256x1024xbf16>, vector<1024x1024xbf16>, vector<256x1024xf32> -> vector<256x1024xf32>
    %convert_element_type3A_18 = arith.truncf %dot_general3A_17 : vector<256x1024xf32> to vector<256x1024xbf16>
    %swap3A = arith.constant 0 : index
    %swap3A_19 = arith.constant 0 : index
    %swap3A_20 = vector.load %arg6[%swap3A, %swap3A_19] : memref<256x1024xbf16, #tpu.memory_space<vmem>>, vector<256x1024xbf16>
    tpu.vector_store %arg6[%swap3A, %swap3A_19], %convert_element_type3A_18 {strides = array<i32>} : memref<256x1024xbf16, #tpu.memory_space<vmem>>, vector<256x1024xbf16>,
    %get3A_21 = arith.constant 0 : index
    %get3A_22 = arith.constant 0 : index
    %get3A_23 = vector.load %arg4[%get3A_21, %get3A_22] : memref<1024x1024xbf16, #tpu.memory_space<vmem>>, vector<1024x1024xbf16>
    %dot_general3A_24 = arith.constant dense<0.000000e+00> : vector<256x1024xf32>
    %dot_general3A_25 = tpu.matmul %convert_element_type3A, %get3A_23, %dot_general3A_24 {dimension_numbers = #tpu.dot_dimension_numbers<[1], [0], [0], [1], [0, 0, 1, 1], [], []>, transpose_lhs_hint = false} : vector<256x1024xbf16>, vector<1024x1024xbf16>, vector<256x1024xf32> -> vector<256x1024xf32>
    %convert_element_type3A_26 = arith.truncf %dot_general3A_25 : vector<256x1024xf32> to vector<256x1024xbf16>
    %swap3A_27 = arith.constant 0 : index
    %swap3A_28 = arith.constant 0 : index
    %swap3A_29 = vector.load %arg7[%swap3A_27, %swap3A_28] : memref<256x1024xbf16, #tpu.memory_space<vmem>>, vector<256x1024xbf16>
    tpu.vector_store %arg7[%swap3A_27, %swap3A_28], %convert_element_type3A_26 {strides = array<i32>} : memref<256x1024xbf16, #tpu.memory_space<vmem>>, vector<256x1024xbf16>,
    %get3A_30 = arith.constant 0 : index
    %get3A_31 = arith.constant 0 : index
    %get3A_32 = vector.load %arg5[%get3A_30, %get3A_31] : memref<1024x1024xbf16, #tpu.memory_space<vmem>>, vector<1024x1024xbf16>
    %dot_general3A_33 = arith.constant dense<0.000000e+00> : vector<256x1024xf32>
    %dot_general3A_34 = tpu.matmul %convert_element_type3A, %get3A_32, %dot_general3A_33 {dimension_numbers = #tpu.dot_dimension_numbers<[1], [0], [0], [1], [0, 0, 1, 1], [], []>, transpose_lhs_hint = false} : vector<256x1024xbf16>, vector<1024x1024xbf16>, vector<256x1024xf32> -> vector<256x1024xf32>
    %convert_element_type3A_35 = arith.truncf %dot_general3A_34 : vector<256x1024xf32> to vector<256x1024xbf16>
    %swap3A_36 = arith.constant 0 : index
    %swap3A_37 = arith.constant 0 : index
    %swap3A_38 = vector.load %arg8[%swap3A_36, %swap3A_37] : memref<256x1024xbf16, #tpu.memory_space<vmem>>, vector<256x1024xbf16>
    tpu.vector_store %arg8[%swap3A_36, %swap3A_37], %convert_element_type3A_35 {strides = array<i32>} : memref<256x1024xbf16, #tpu.memory_space<vmem>>, vector<256x1024xbf16>,
    return
  }
  func.func @transform_0(%arg0: i32) -> (i32, i32) {
    %c0_i32 = arith.constant 0 : i32
    %c0_i32_0 = arith.constant 0 : i32
    return %arg0, %c0_i32 : i32, i32
  }
  func.func @transform_1(%arg0: i32) -> (i32, i32) {
    %c0_i32 = arith.constant 0 : i32
    %c0_i32_0 = arith.constant 0 : i32
    %c0_i32_1 = arith.constant 0 : i32
    return %c0_i32, %c0_i32_0 : i32, i32
  }
  func.func @transform_2(%arg0: i32) -> (i32, i32) {
    %c0_i32 = arith.constant 0 : i32
    %c0_i32_0 = arith.constant 0 : i32
    %c0_i32_1 = arith.constant 0 : i32
    return %c0_i32, %c0_i32_0 : i32, i32
  }
  func.func @transform_3(%arg0: i32) -> (i32, i32) {
    %c0_i32 = arith.constant 0 : i32
    %c0_i32_0 = arith.constant 0 : i32
    %c0_i32_1 = arith.constant 0 : i32
    return %c0_i32, %c0_i32_0 : i32, i32
  }
  func.func @transform_4(%arg0: i32) -> (i32, i32) {
    %c0_i32 = arith.constant 0 : i32
    %c0_i32_0 = arith.constant 0 : i32
    %c0_i32_1 = arith.constant 0 : i32
    return %c0_i32, %c0_i32_0 : i32, i32
  }
  func.func @transform_5(%arg0: i32) -> (i32, i32) {
    %c0_i32 = arith.constant 0 : i32
    %c0_i32_0 = arith.constant 0 : i32
    return %arg0, %c0_i32 : i32, i32
  }
  func.func @transform_6(%arg0: i32) -> (i32, i32) {
    %c0_i32 = arith.constant 0 : i32
    %c0_i32_0 = arith.constant 0 : i32
    return %arg0, %c0_i32 : i32, i32
  }
  func.func @transform_7(%arg0: i32) -> (i32, i32) {
    %c0_i32 = arith.constant 0 : i32
    %c0_i32_0 = arith.constant 0 : i32
    return %arg0, %c0_i32 : i32, i32
  }
}

module attributes {stable_mosaic.version = 14 : i64} {
  func.func @_attn_body(%arg0: i32, %arg1: i32, %arg2: memref<512x128xbf16, #tpu.memory_space<vmem>>, %arg3: memref<2048x128xbf16, #tpu.memory_space<vmem>>, %arg4: memref<2048x128xbf16, #tpu.memory_space<vmem>>, %arg5: memref<512x128xbf16, #tpu.memory_space<vmem>>) attributes {dimension_semantics = [#tpu.dimension_semantics<arbitrary>, #tpu.dimension_semantics<arbitrary>], iteration_bounds = array<i64: 8, 4>, scalar_prefetch = 0 : i64, scratch_operands = 0 : i64, tpu.core_type = #tpu.core_type<tc>, window_params = [{transform_indices = @transform_0, window_bounds = array<i64: 512, 128>}, {transform_indices = @transform_1, window_bounds = array<i64: 2048, 128>}, {transform_indices = @transform_2, window_bounds = array<i64: 2048, 128>}, {transform_indices = @transform_3, window_bounds = array<i64: 512, 128>}]} {
    %get3A = arith.constant 0 : index
    %get3A_0 = arith.constant 0 : index
    %get3A_1 = vector.load %arg2[%get3A, %get3A_0] : memref<512x128xbf16, #tpu.memory_space<vmem>>, vector<512x128xbf16>
    %get3A_2 = arith.constant 0 : index
    %get3A_3 = arith.constant 0 : index
    %get3A_4 = vector.load %arg3[%get3A_2, %get3A_3] : memref<2048x128xbf16, #tpu.memory_space<vmem>>, vector<2048x128xbf16>
    %get3A_5 = arith.constant 0 : index
    %get3A_6 = arith.constant 0 : index
    %get3A_7 = vector.load %arg4[%get3A_5, %get3A_6] : memref<2048x128xbf16, #tpu.memory_space<vmem>>, vector<2048x128xbf16>
    %slice3A = vector.extract_strided_slice %get3A_1 {offsets = [0, 0], sizes = [512, 64], strides = [1, 1]} : vector<512x128xbf16> to vector<512x64xbf16>
    %slice3A_8 = vector.extract_strided_slice %get3A_4 {offsets = [0, 0], sizes = [2048, 64], strides = [1, 1]} : vector<2048x128xbf16> to vector<2048x64xbf16>
    %dot_general3A = arith.constant dense<0.000000e+00> : vector<512x2048xf32>
    %dot_general3A_9 = tpu.matmul %slice3A, %slice3A_8, %dot_general3A {dimension_numbers = #tpu.dot_dimension_numbers<[1], [1], [0], [0], [0, 0, 1, 0], [], []>, transpose_lhs_hint = false} : vector<512x64xbf16>, vector<2048x64xbf16>, vector<512x2048xf32> -> vector<512x2048xf32>
    %mul3A = arith.constant 1.250000e-01 : f32
    %mul3A_10 = vector.broadcast %mul3A : f32 to vector<512x2048xf32>
    %mul3A_11 = arith.mulf %dot_general3A_9, %mul3A_10 : vector<512x2048xf32>
    %reduce_max3A = arith.constant dense<0xFF800000> : vector<512xf32>
    %reduce_max3A_12 = vector.multi_reduction <maximumf>, %mul3A_11, %reduce_max3A [1] : vector<512x2048xf32> to vector<512xf32>
    %broadcast_in_dim3A = vector.shape_cast %reduce_max3A_12 : vector<512xf32> to vector<512x1xf32>
    %sub3A = vector.broadcast %broadcast_in_dim3A : vector<512x1xf32> to vector<512x2048xf32>
    %sub3A_13 = arith.subf %mul3A_11, %sub3A : vector<512x2048xf32>
    %exp3A = math.exp %sub3A_13 : vector<512x2048xf32>
    %reduce_sum3A = arith.constant dense<0.000000e+00> : vector<512xf32>
    %reduce_sum3A_14 = vector.multi_reduction <add>, %exp3A, %reduce_sum3A [1] : vector<512x2048xf32> to vector<512xf32>
    %broadcast_in_dim3A_15 = vector.shape_cast %reduce_sum3A_14 : vector<512xf32> to vector<512x1xf32>
    %convert_element_type3A = arith.truncf %exp3A : vector<512x2048xf32> to vector<512x2048xbf16>
    %slice3A_16 = vector.extract_strided_slice %get3A_1 {offsets = [0, 64], sizes = [512, 64], strides = [1, 1]} : vector<512x128xbf16> to vector<512x64xbf16>
    %slice3A_17 = vector.extract_strided_slice %get3A_4 {offsets = [0, 64], sizes = [2048, 64], strides = [1, 1]} : vector<2048x128xbf16> to vector<2048x64xbf16>
    %dot_general3A_18 = arith.constant dense<0.000000e+00> : vector<512x2048xf32>
    %dot_general3A_19 = tpu.matmul %slice3A_16, %slice3A_17, %dot_general3A_18 {dimension_numbers = #tpu.dot_dimension_numbers<[1], [1], [0], [0], [0, 0, 1, 0], [], []>, transpose_lhs_hint = false} : vector<512x64xbf16>, vector<2048x64xbf16>, vector<512x2048xf32> -> vector<512x2048xf32>
    %mul3A_20 = arith.constant 1.250000e-01 : f32
    %mul3A_21 = vector.broadcast %mul3A_20 : f32 to vector<512x2048xf32>
    %mul3A_22 = arith.mulf %dot_general3A_19, %mul3A_21 : vector<512x2048xf32>
    %reduce_max3A_23 = arith.constant dense<0xFF800000> : vector<512xf32>
    %reduce_max3A_24 = vector.multi_reduction <maximumf>, %mul3A_22, %reduce_max3A_23 [1] : vector<512x2048xf32> to vector<512xf32>
    %broadcast_in_dim3A_25 = vector.shape_cast %reduce_max3A_24 : vector<512xf32> to vector<512x1xf32>
    %sub3A_26 = vector.broadcast %broadcast_in_dim3A_25 : vector<512x1xf32> to vector<512x2048xf32>
    %sub3A_27 = arith.subf %mul3A_22, %sub3A_26 : vector<512x2048xf32>
    %exp3A_28 = math.exp %sub3A_27 : vector<512x2048xf32>
    %reduce_sum3A_29 = arith.constant dense<0.000000e+00> : vector<512xf32>
    %reduce_sum3A_30 = vector.multi_reduction <add>, %exp3A_28, %reduce_sum3A_29 [1] : vector<512x2048xf32> to vector<512xf32>
    %broadcast_in_dim3A_31 = vector.shape_cast %reduce_sum3A_30 : vector<512xf32> to vector<512x1xf32>
    %convert_element_type3A_32 = arith.truncf %exp3A_28 : vector<512x2048xf32> to vector<512x2048xbf16>
    %slice3A_33 = vector.extract_strided_slice %get3A_7 {offsets = [0, 0], sizes = [2048, 64], strides = [1, 1]} : vector<2048x128xbf16> to vector<2048x64xbf16>
    %dot_general3A_34 = arith.constant dense<0.000000e+00> : vector<512x64xf32>
    %dot_general3A_35 = tpu.matmul %convert_element_type3A, %slice3A_33, %dot_general3A_34 {dimension_numbers = #tpu.dot_dimension_numbers<[1], [0], [0], [1], [0, 0, 1, 1], [], []>, transpose_lhs_hint = false} : vector<512x2048xbf16>, vector<2048x64xbf16>, vector<512x64xf32> -> vector<512x64xf32>
    %div3A = vector.broadcast %broadcast_in_dim3A_15 : vector<512x1xf32> to vector<512x64xf32>
    %div3A_36 = arith.divf %dot_general3A_35, %div3A : vector<512x64xf32>
    %slice3A_37 = vector.extract_strided_slice %get3A_7 {offsets = [0, 64], sizes = [2048, 64], strides = [1, 1]} : vector<2048x128xbf16> to vector<2048x64xbf16>
    %dot_general3A_38 = arith.constant dense<0.000000e+00> : vector<512x64xf32>
    %dot_general3A_39 = tpu.matmul %convert_element_type3A_32, %slice3A_37, %dot_general3A_38 {dimension_numbers = #tpu.dot_dimension_numbers<[1], [0], [0], [1], [0, 0, 1, 1], [], []>, transpose_lhs_hint = false} : vector<512x2048xbf16>, vector<2048x64xbf16>, vector<512x64xf32> -> vector<512x64xf32>
    %div3A_40 = vector.broadcast %broadcast_in_dim3A_31 : vector<512x1xf32> to vector<512x64xf32>
    %div3A_41 = arith.divf %dot_general3A_39, %div3A_40 : vector<512x64xf32>
    %concatenate3A = tpu.concatenate %div3A_36, %div3A_41 in 1 : vector<512x64xf32>, vector<512x64xf32> -> vector<512x128xf32>
    %convert_element_type3A_42 = arith.truncf %concatenate3A : vector<512x128xf32> to vector<512x128xbf16>
    %swap3A = arith.constant 0 : index
    %swap3A_43 = arith.constant 0 : index
    %swap3A_44 = vector.load %arg5[%swap3A, %swap3A_43] : memref<512x128xbf16, #tpu.memory_space<vmem>>, vector<512x128xbf16>
    tpu.vector_store %arg5[%swap3A, %swap3A_43], %convert_element_type3A_42 {strides = array<i32>} : memref<512x128xbf16, #tpu.memory_space<vmem>>, vector<512x128xbf16>,
    return
  }
  func.func @transform_0(%arg0: i32, %arg1: i32) -> (i32, i32) {
    %c0_i32 = arith.constant 0 : i32
    return %arg1, %arg0 : i32, i32
  }
  func.func @transform_1(%arg0: i32, %arg1: i32) -> (i32, i32) {
    %c0_i32 = arith.constant 0 : i32
    %c0_i32_0 = arith.constant 0 : i32
    return %c0_i32, %arg0 : i32, i32
  }
  func.func @transform_2(%arg0: i32, %arg1: i32) -> (i32, i32) {
    %c0_i32 = arith.constant 0 : i32
    %c0_i32_0 = arith.constant 0 : i32
    return %c0_i32, %arg0 : i32, i32
  }
  func.func @transform_3(%arg0: i32, %arg1: i32) -> (i32, i32) {
    %c0_i32 = arith.constant 0 : i32
    return %arg1, %arg0 : i32, i32
  }
}

module attributes {stable_mosaic.version = 14 : i64} {
  func.func @_postr_body(%arg0: i32, %arg1: memref<256x1024xbf16, #tpu.memory_space<vmem>>, %arg2: memref<256x1024xf32, #tpu.memory_space<vmem>>, %arg3: memref<1024x1024xf32, #tpu.memory_space<vmem>>, %arg4: memref<1x1024xf32, #tpu.memory_space<vmem>>, %arg5: memref<1024x8xf32, #tpu.memory_space<vmem>>, %arg6: memref<256x1024xf32, #tpu.memory_space<vmem>>, %arg7: memref<256x1024xf32, #tpu.memory_space<vmem>>, %arg8: memref<2048x1xf32, #tpu.memory_space<vmem>>, %arg9: memref<2048x1xf32, #tpu.memory_space<vmem>>, %arg10: memref<2048x1xi32, #tpu.memory_space<vmem>>, %arg11: memref<2048x1xi32, #tpu.memory_space<vmem>>, %arg12: memref<32x1xi32, #tpu.memory_space<vmem>>, %arg13: memref<1x1xf32, #tpu.memory_space<vmem>>, %arg14: memref<2048x8xf32, #tpu.memory_space<vmem>>) attributes {dimension_semantics = [#tpu.dimension_semantics<arbitrary>], iteration_bounds = array<i64: 8>, scalar_prefetch = 0 : i64, scratch_operands = 1 : i64, tpu.core_type = #tpu.core_type<tc>, window_params = [{transform_indices = @transform_0, window_bounds = array<i64: 256, 1024>}, {transform_indices = @transform_1, window_bounds = array<i64: 256, 1024>}, {pipeline_mode = #tpu.pipeline_mode<synchronous>, transform_indices = @transform_2, window_bounds = array<i64: 1024, 1024>}, {pipeline_mode = #tpu.pipeline_mode<synchronous>, transform_indices = @transform_3, window_bounds = array<i64: 1, 1024>}, {pipeline_mode = #tpu.pipeline_mode<synchronous>, transform_indices = @transform_4, window_bounds = array<i64: 1024, 8>}, {transform_indices = @transform_5, window_bounds = array<i64: 256, 1024>}, {transform_indices = @transform_6, window_bounds = array<i64: 256, 1024>}, {pipeline_mode = #tpu.pipeline_mode<synchronous>, transform_indices = @transform_7, window_bounds = array<i64: 2048, 1>}, {pipeline_mode = #tpu.pipeline_mode<synchronous>, transform_indices = @transform_8, window_bounds = array<i64: 2048, 1>}, {pipeline_mode = #tpu.pipeline_mode<synchronous>, transform_indices = @transform_9, window_bounds = array<i64: 2048, 1>}, {pipeline_mode = #tpu.pipeline_mode<synchronous>, transform_indices = @transform_10, window_bounds = array<i64: 2048, 1>}, {pipeline_mode = #tpu.pipeline_mode<synchronous>, transform_indices = @transform_11, window_bounds = array<i64: 32, 1>}, {pipeline_mode = #tpu.pipeline_mode<synchronous>, transform_indices = @transform_12, window_bounds = array<i64: 1, 1>}]} {
    %get3A = arith.constant 0 : index
    %get3A_0 = arith.constant 0 : index
    %get3A_1 = vector.load %arg2[%get3A, %get3A_0] : memref<256x1024xf32, #tpu.memory_space<vmem>>, vector<256x1024xf32>
    %get3A_2 = arith.constant 0 : index
    %get3A_3 = arith.constant 0 : index
    %get3A_4 = vector.load %arg1[%get3A_2, %get3A_3] : memref<256x1024xbf16, #tpu.memory_space<vmem>>, vector<256x1024xbf16>
    %get3A_5 = arith.constant 0 : index
    %get3A_6 = arith.constant 0 : index
    %get3A_7 = vector.load %arg3[%get3A_5, %get3A_6] : memref<1024x1024xf32, #tpu.memory_space<vmem>>, vector<1024x1024xf32>
    %convert_element_type3A = arith.truncf %get3A_7 : vector<1024x1024xf32> to vector<1024x1024xbf16>
    %dot_general3A = arith.constant dense<0.000000e+00> : vector<256x1024xf32>
    %dot_general3A_8 = tpu.matmul %get3A_4, %convert_element_type3A, %dot_general3A {dimension_numbers = #tpu.dot_dimension_numbers<[1], [0], [0], [1], [0, 0, 1, 1], [], []>, transpose_lhs_hint = false} : vector<256x1024xbf16>, vector<1024x1024xbf16>, vector<256x1024xf32> -> vector<256x1024xf32>
    %add3A = arith.addf %get3A_1, %dot_general3A_8 : vector<256x1024xf32>
    %get3A_9 = arith.constant 0 : index
    %get3A_10 = arith.constant 0 : index
    %get3A_11 = vector.load %arg4[%get3A_9, %get3A_10] : memref<1x1024xf32, #tpu.memory_space<vmem>>, vector<1x1024xf32>
    %mul3A = arith.mulf %add3A, %add3A : vector<256x1024xf32>
    %reduce_sum3A = arith.constant dense<0.000000e+00> : vector<256xf32>
    %reduce_sum3A_12 = vector.multi_reduction <add>, %mul3A, %reduce_sum3A [1] : vector<256x1024xf32> to vector<256xf32>
    %broadcast_in_dim3A = vector.shape_cast %reduce_sum3A_12 : vector<256xf32> to vector<256x1xf32>
    %div3A = arith.constant 1.024000e+03 : f32
    %div3A_13 = vector.broadcast %div3A : f32 to vector<256x1xf32>
    %div3A_14 = arith.divf %broadcast_in_dim3A, %div3A_13 : vector<256x1xf32>
    %add3A_15 = arith.constant 9.99999974E-6 : f32
    %add3A_16 = vector.broadcast %add3A_15 : f32 to vector<256x1xf32>
    %add3A_17 = arith.addf %div3A_14, %add3A_16 : vector<256x1xf32>
    %rsqrt3A = math.rsqrt %add3A_17 : vector<256x1xf32>
    %mul3A_18 = vector.broadcast %rsqrt3A : vector<256x1xf32> to vector<256x1024xf32>
    %mul3A_19 = arith.mulf %add3A, %mul3A_18 : vector<256x1024xf32>
    %mul3A_20 = vector.broadcast %get3A_11 : vector<1x1024xf32> to vector<256x1024xf32>
    %mul3A_21 = arith.mulf %mul3A_19, %mul3A_20 : vector<256x1024xf32>
    %swap3A = arith.constant 0 : index
    %swap3A_22 = arith.constant 0 : index
    %swap3A_23 = vector.load %arg6[%swap3A, %swap3A_22] : memref<256x1024xf32, #tpu.memory_space<vmem>>, vector<256x1024xf32>
    tpu.vector_store %arg6[%swap3A, %swap3A_22], %add3A {strides = array<i32>} : memref<256x1024xf32, #tpu.memory_space<vmem>>, vector<256x1024xf32>,
    %swap3A_24 = arith.constant 0 : index
    %swap3A_25 = arith.constant 0 : index
    %swap3A_26 = vector.load %arg7[%swap3A_24, %swap3A_25] : memref<256x1024xf32, #tpu.memory_space<vmem>>, vector<256x1024xf32>
    tpu.vector_store %arg7[%swap3A_24, %swap3A_25], %mul3A_21 {strides = array<i32>} : memref<256x1024xf32, #tpu.memory_space<vmem>>, vector<256x1024xf32>,
    %get3A_27 = arith.constant 0 : index
    %get3A_28 = arith.constant 0 : index
    %get3A_29 = vector.load %arg5[%get3A_27, %get3A_28] : memref<1024x8xf32, #tpu.memory_space<vmem>>, vector<1024x8xf32>
    %dot_general3A_30 = arith.constant dense<0.000000e+00> : vector<256x8xf32>
    %dot_general3A_31 = tpu.matmul %mul3A_21, %get3A_29, %dot_general3A_30 {dimension_numbers = #tpu.dot_dimension_numbers<[1], [0], [0], [1], [0, 0, 1, 1], [], []>, transpose_lhs_hint = false} : vector<256x1024xf32>, vector<1024x8xf32>, vector<256x8xf32> -> vector<256x8xf32>
    %mul3A_32 = arith.constant 256 : i32
    %mul3A_33 = arith.muli %arg0, %mul3A_32 : i32
    %swap3A_34 = arith.index_cast %mul3A_33 : i32 to index
    %swap3A_35 = arith.constant 0 : index
    %swap3A_36 = vector.load %arg14[%swap3A_34, %swap3A_35] : memref<2048x8xf32, #tpu.memory_space<vmem>>, vector<256x8xf32>
    tpu.vector_store %arg14[%swap3A_34, %swap3A_35], %dot_general3A_31 {strides = array<i32>} : memref<2048x8xf32, #tpu.memory_space<vmem>>, vector<256x8xf32>,
    %eq3A = arith.constant 7 : i32
    %eq3A_37 = arith.cmpi eq, %arg0, %eq3A : i32
    %convert_element_type3A_38 = arith.extui %eq3A_37 : i1 to i32
    %cond3A = arith.constant 0 : i32
    %cond3A_39 = arith.cmpi ne, %convert_element_type3A_38, %cond3A : i32
    scf.if %cond3A_39 {
      %get3A_40 = arith.constant 0 : index
      %get3A_41 = arith.constant 0 : index
      %get3A_42 = vector.load %arg14[%get3A_40, %get3A_41] : memref<2048x8xf32, #tpu.memory_space<vmem>>, vector<2048x8xf32>
      %reduce_max3A = arith.constant dense<0xFF800000> : vector<2048xf32>
      %reduce_max3A_43 = vector.multi_reduction <maximumf>, %get3A_42, %reduce_max3A [1] : vector<2048x8xf32> to vector<2048xf32>
      %broadcast_in_dim3A_44 = vector.shape_cast %reduce_max3A_43 : vector<2048xf32> to vector<2048x1xf32>
      %sub3A = vector.broadcast %broadcast_in_dim3A_44 : vector<2048x1xf32> to vector<2048x8xf32>
      %sub3A_45 = arith.subf %get3A_42, %sub3A : vector<2048x8xf32>
      %exp3A = math.exp %sub3A_45 : vector<2048x8xf32>
      %reduce_sum3A_46 = arith.constant dense<0.000000e+00> : vector<2048xf32>
      %reduce_sum3A_47 = vector.multi_reduction <add>, %exp3A, %reduce_sum3A_46 [1] : vector<2048x8xf32> to vector<2048xf32>
      %broadcast_in_dim3A_48 = vector.shape_cast %reduce_sum3A_47 : vector<2048xf32> to vector<2048x1xf32>
      %div3A_49 = vector.broadcast %broadcast_in_dim3A_48 : vector<2048x1xf32> to vector<2048x8xf32>
      %div3A_50 = arith.divf %exp3A, %div3A_49 : vector<2048x8xf32>
      %iota3A = tpu.iota {dimensions = array<i32: 1>} : vector<2048x8xi32>
      %argmax3A = tpu.reduce_index %div3A_50 {axis = 1 : i32, kind = #tpu.reduction_kind<arg_max>} : vector<2048x8xf32> -> vector<2048xi32>
      %broadcast_in_dim3A_51 = vector.shape_cast %argmax3A : vector<2048xi32> to vector<2048x1xi32>
      %reduce_max3A_52 = arith.constant dense<0xFF800000> : vector<2048xf32>
      %reduce_max3A_53 = vector.multi_reduction <maximumf>, %div3A_50, %reduce_max3A_52 [1] : vector<2048x8xf32> to vector<2048xf32>
      %broadcast_in_dim3A_54 = vector.shape_cast %reduce_max3A_53 : vector<2048xf32> to vector<2048x1xf32>
      %eq3A_55 = vector.broadcast %broadcast_in_dim3A_51 : vector<2048x1xi32> to vector<2048x8xi32>
      %eq3A_56 = arith.cmpi eq, %iota3A, %eq3A_55 : vector<2048x8xi32>
      %jit3A = arith.constant 0xFF800000 : f32
      %broadcast_in_dim3A_57 = vector.broadcast %jit3A : f32 to vector<2048x8xf32>
      %select_n3A = arith.select %eq3A_56, %broadcast_in_dim3A_57, %div3A_50 : vector<2048x8xi1>, vector<2048x8xf32>
      %argmax3A_58 = tpu.reduce_index %select_n3A {axis = 1 : i32, kind = #tpu.reduction_kind<arg_max>} : vector<2048x8xf32> -> vector<2048xi32>
      %broadcast_in_dim3A_59 = vector.shape_cast %argmax3A_58 : vector<2048xi32> to vector<2048x1xi32>
      %reduce_max3A_60 = arith.constant dense<0xFF800000> : vector<2048xf32>
      %reduce_max3A_61 = vector.multi_reduction <maximumf>, %select_n3A, %reduce_max3A_60 [1] : vector<2048x8xf32> to vector<2048xf32>
      %broadcast_in_dim3A_62 = vector.shape_cast %reduce_max3A_61 : vector<2048xf32> to vector<2048x1xf32>
      %eq3A_63 = vector.broadcast %broadcast_in_dim3A_59 : vector<2048x1xi32> to vector<2048x8xi32>
      %eq3A_64 = arith.cmpi eq, %iota3A, %eq3A_63 : vector<2048x8xi32>
      %add3A_65 = arith.addf %broadcast_in_dim3A_54, %broadcast_in_dim3A_62 : vector<2048x1xf32>
      %div3A_66 = arith.divf %broadcast_in_dim3A_54, %add3A_65 : vector<2048x1xf32>
      %swap3A_67 = arith.constant 0 : index
      %swap3A_68 = arith.constant 0 : index
      %swap3A_69 = vector.load %arg8[%swap3A_67, %swap3A_68] : memref<2048x1xf32, #tpu.memory_space<vmem>>, vector<2048x1xf32>
      tpu.vector_store %arg8[%swap3A_67, %swap3A_68], %div3A_66 {strides = array<i32>} : memref<2048x1xf32, #tpu.memory_space<vmem>>, vector<2048x1xf32>,
      %div3A_70 = arith.divf %broadcast_in_dim3A_62, %add3A_65 : vector<2048x1xf32>
      %swap3A_71 = arith.constant 0 : index
      %swap3A_72 = arith.constant 0 : index
      %swap3A_73 = vector.load %arg9[%swap3A_71, %swap3A_72] : memref<2048x1xf32, #tpu.memory_space<vmem>>, vector<2048x1xf32>
      tpu.vector_store %arg9[%swap3A_71, %swap3A_72], %div3A_70 {strides = array<i32>} : memref<2048x1xf32, #tpu.memory_space<vmem>>, vector<2048x1xf32>,
      %or3A = arith.ori %eq3A_56, %eq3A_64 : vector<2048x8xi1>
      %convert_element_type3A_74 = arith.extui %or3A : vector<2048x8xi1> to vector<2048x8xi32>
      %convert_element_type3A_75 = arith.sitofp %convert_element_type3A_74 : vector<2048x8xi32> to vector<2048x8xf32>
      %convert_element_type3A_76 = arith.truncf %convert_element_type3A_75 : vector<2048x8xf32> to vector<2048x8xbf16>
      %iota3A_77 = tpu.iota {dimensions = array<i32: 0>} : vector<256x256xi32>
      %iota3A_78 = tpu.iota {dimensions = array<i32: 1>} : vector<256x256xi32>
      %lt3A = arith.cmpi slt, %iota3A_78, %iota3A_77 : vector<256x256xi32>
      %convert_element_type3A_79 = arith.extui %lt3A : vector<256x256xi1> to vector<256x256xi32>
      %convert_element_type3A_80 = arith.sitofp %convert_element_type3A_79 : vector<256x256xi32> to vector<256x256xf32>
      %convert_element_type3A_81 = arith.truncf %convert_element_type3A_80 : vector<256x256xf32> to vector<256x256xbf16>
      %broadcast_in_dim3A_82 = arith.constant 0.000000e+00 : f32
      %broadcast_in_dim3A_83 = vector.broadcast %broadcast_in_dim3A_82 : f32 to vector<1x8xf32>
      %slice3A = vector.extract_strided_slice %convert_element_type3A_76 {offsets = [0, 0], sizes = [256, 8], strides = [1, 1]} : vector<2048x8xbf16> to vector<256x8xbf16>
      %dot_general3A_84 = arith.constant dense<0.000000e+00> : vector<256x8xf32>
      %dot_general3A_85 = tpu.matmul %convert_element_type3A_81, %slice3A, %dot_general3A_84 {dimension_numbers = #tpu.dot_dimension_numbers<[1], [0], [0], [1], [0, 0, 1, 1], [], []>, transpose_lhs_hint = false} : vector<256x256xbf16>, vector<256x8xbf16>, vector<256x8xf32> -> vector<256x8xf32>
      %add3A_86 = vector.broadcast %broadcast_in_dim3A_83 : vector<1x8xf32> to vector<256x8xf32>
      %add3A_87 = arith.addf %dot_general3A_85, %add3A_86 : vector<256x8xf32>
      %convert_element_type3A_88 = arith.extf %slice3A : vector<256x8xbf16> to vector<256x8xf32>
      %reduce_sum3A_89 = arith.constant dense<0.000000e+00> : vector<8xf32>
      %reduce_sum3A_90 = vector.multi_reduction <add>, %convert_element_type3A_88, %reduce_sum3A_89 [0] : vector<256x8xf32> to vector<8xf32>
      %broadcast_in_dim3A_91 = vector.shape_cast %reduce_sum3A_90 : vector<8xf32> to vector<1x8xf32>
      %add3A_92 = arith.addf %broadcast_in_dim3A_83, %broadcast_in_dim3A_91 : vector<1x8xf32>
      %slice3A_93 = vector.extract_strided_slice %convert_element_type3A_76 {offsets = [256, 0], sizes = [256, 8], strides = [1, 1]} : vector<2048x8xbf16> to vector<256x8xbf16>
      %dot_general3A_94 = arith.constant dense<0.000000e+00> : vector<256x8xf32>
      %dot_general3A_95 = tpu.matmul %convert_element_type3A_81, %slice3A_93, %dot_general3A_94 {dimension_numbers = #tpu.dot_dimension_numbers<[1], [0], [0], [1], [0, 0, 1, 1], [], []>, transpose_lhs_hint = false} : vector<256x256xbf16>, vector<256x8xbf16>, vector<256x8xf32> -> vector<256x8xf32>
      %add3A_96 = vector.broadcast %add3A_92 : vector<1x8xf32> to vector<256x8xf32>
      %add3A_97 = arith.addf %dot_general3A_95, %add3A_96 : vector<256x8xf32>
      %convert_element_type3A_98 = arith.extf %slice3A_93 : vector<256x8xbf16> to vector<256x8xf32>
      %reduce_sum3A_99 = arith.constant dense<0.000000e+00> : vector<8xf32>
      %reduce_sum3A_100 = vector.multi_reduction <add>, %convert_element_type3A_98, %reduce_sum3A_99 [0] : vector<256x8xf32> to vector<8xf32>
      %broadcast_in_dim3A_101 = vector.shape_cast %reduce_sum3A_100 : vector<8xf32> to vector<1x8xf32>
      %add3A_102 = arith.addf %add3A_92, %broadcast_in_dim3A_101 : vector<1x8xf32>
      %slice3A_103 = vector.extract_strided_slice %convert_element_type3A_76 {offsets = [512, 0], sizes = [256, 8], strides = [1, 1]} : vector<2048x8xbf16> to vector<256x8xbf16>
      %dot_general3A_104 = arith.constant dense<0.000000e+00> : vector<256x8xf32>
      %dot_general3A_105 = tpu.matmul %convert_element_type3A_81, %slice3A_103, %dot_general3A_104 {dimension_numbers = #tpu.dot_dimension_numbers<[1], [0], [0], [1], [0, 0, 1, 1], [], []>, transpose_lhs_hint = false} : vector<256x256xbf16>, vector<256x8xbf16>, vector<256x8xf32> -> vector<256x8xf32>
      %add3A_106 = vector.broadcast %add3A_102 : vector<1x8xf32> to vector<256x8xf32>
      %add3A_107 = arith.addf %dot_general3A_105, %add3A_106 : vector<256x8xf32>
      %convert_element_type3A_108 = arith.extf %slice3A_103 : vector<256x8xbf16> to vector<256x8xf32>
      %reduce_sum3A_109 = arith.constant dense<0.000000e+00> : vector<8xf32>
      %reduce_sum3A_110 = vector.multi_reduction <add>, %convert_element_type3A_108, %reduce_sum3A_109 [0] : vector<256x8xf32> to vector<8xf32>
      %broadcast_in_dim3A_111 = vector.shape_cast %reduce_sum3A_110 : vector<8xf32> to vector<1x8xf32>
      %add3A_112 = arith.addf %add3A_102, %broadcast_in_dim3A_111 : vector<1x8xf32>
      %slice3A_113 = vector.extract_strided_slice %convert_element_type3A_76 {offsets = [768, 0], sizes = [256, 8], strides = [1, 1]} : vector<2048x8xbf16> to vector<256x8xbf16>
      %dot_general3A_114 = arith.constant dense<0.000000e+00> : vector<256x8xf32>
      %dot_general3A_115 = tpu.matmul %convert_element_type3A_81, %slice3A_113, %dot_general3A_114 {dimension_numbers = #tpu.dot_dimension_numbers<[1], [0], [0], [1], [0, 0, 1, 1], [], []>, transpose_lhs_hint = false} : vector<256x256xbf16>, vector<256x8xbf16>, vector<256x8xf32> -> vector<256x8xf32>
      %add3A_116 = vector.broadcast %add3A_112 : vector<1x8xf32> to vector<256x8xf32>
      %add3A_117 = arith.addf %dot_general3A_115, %add3A_116 : vector<256x8xf32>
      %convert_element_type3A_118 = arith.extf %slice3A_113 : vector<256x8xbf16> to vector<256x8xf32>
      %reduce_sum3A_119 = arith.constant dense<0.000000e+00> : vector<8xf32>
      %reduce_sum3A_120 = vector.multi_reduction <add>, %convert_element_type3A_118, %reduce_sum3A_119 [0] : vector<256x8xf32> to vector<8xf32>
      %broadcast_in_dim3A_121 = vector.shape_cast %reduce_sum3A_120 : vector<8xf32> to vector<1x8xf32>
      %add3A_122 = arith.addf %add3A_112, %broadcast_in_dim3A_121 : vector<1x8xf32>
      %slice3A_123 = vector.extract_strided_slice %convert_element_type3A_76 {offsets = [1024, 0], sizes = [256, 8], strides = [1, 1]} : vector<2048x8xbf16> to vector<256x8xbf16>
      %dot_general3A_124 = arith.constant dense<0.000000e+00> : vector<256x8xf32>
      %dot_general3A_125 = tpu.matmul %convert_element_type3A_81, %slice3A_123, %dot_general3A_124 {dimension_numbers = #tpu.dot_dimension_numbers<[1], [0], [0], [1], [0, 0, 1, 1], [], []>, transpose_lhs_hint = false} : vector<256x256xbf16>, vector<256x8xbf16>, vector<256x8xf32> -> vector<256x8xf32>
      %add3A_126 = vector.broadcast %add3A_122 : vector<1x8xf32> to vector<256x8xf32>
      %add3A_127 = arith.addf %dot_general3A_125, %add3A_126 : vector<256x8xf32>
      %convert_element_type3A_128 = arith.extf %slice3A_123 : vector<256x8xbf16> to vector<256x8xf32>
      %reduce_sum3A_129 = arith.constant dense<0.000000e+00> : vector<8xf32>
      %reduce_sum3A_130 = vector.multi_reduction <add>, %convert_element_type3A_128, %reduce_sum3A_129 [0] : vector<256x8xf32> to vector<8xf32>
      %broadcast_in_dim3A_131 = vector.shape_cast %reduce_sum3A_130 : vector<8xf32> to vector<1x8xf32>
      %add3A_132 = arith.addf %add3A_122, %broadcast_in_dim3A_131 : vector<1x8xf32>
      %slice3A_133 = vector.extract_strided_slice %convert_element_type3A_76 {offsets = [1280, 0], sizes = [256, 8], strides = [1, 1]} : vector<2048x8xbf16> to vector<256x8xbf16>
      %dot_general3A_134 = arith.constant dense<0.000000e+00> : vector<256x8xf32>
      %dot_general3A_135 = tpu.matmul %convert_element_type3A_81, %slice3A_133, %dot_general3A_134 {dimension_numbers = #tpu.dot_dimension_numbers<[1], [0], [0], [1], [0, 0, 1, 1], [], []>, transpose_lhs_hint = false} : vector<256x256xbf16>, vector<256x8xbf16>, vector<256x8xf32> -> vector<256x8xf32>
      %add3A_136 = vector.broadcast %add3A_132 : vector<1x8xf32> to vector<256x8xf32>
      %add3A_137 = arith.addf %dot_general3A_135, %add3A_136 : vector<256x8xf32>
      %convert_element_type3A_138 = arith.extf %slice3A_133 : vector<256x8xbf16> to vector<256x8xf32>
      %reduce_sum3A_139 = arith.constant dense<0.000000e+00> : vector<8xf32>
      %reduce_sum3A_140 = vector.multi_reduction <add>, %convert_element_type3A_138, %reduce_sum3A_139 [0] : vector<256x8xf32> to vector<8xf32>
      %broadcast_in_dim3A_141 = vector.shape_cast %reduce_sum3A_140 : vector<8xf32> to vector<1x8xf32>
      %add3A_142 = arith.addf %add3A_132, %broadcast_in_dim3A_141 : vector<1x8xf32>
      %slice3A_143 = vector.extract_strided_slice %convert_element_type3A_76 {offsets = [1536, 0], sizes = [256, 8], strides = [1, 1]} : vector<2048x8xbf16> to vector<256x8xbf16>
      %dot_general3A_144 = arith.constant dense<0.000000e+00> : vector<256x8xf32>
      %dot_general3A_145 = tpu.matmul %convert_element_type3A_81, %slice3A_143, %dot_general3A_144 {dimension_numbers = #tpu.dot_dimension_numbers<[1], [0], [0], [1], [0, 0, 1, 1], [], []>, transpose_lhs_hint = false} : vector<256x256xbf16>, vector<256x8xbf16>, vector<256x8xf32> -> vector<256x8xf32>
      %add3A_146 = vector.broadcast %add3A_142 : vector<1x8xf32> to vector<256x8xf32>
      %add3A_147 = arith.addf %dot_general3A_145, %add3A_146 : vector<256x8xf32>
      %convert_element_type3A_148 = arith.extf %slice3A_143 : vector<256x8xbf16> to vector<256x8xf32>
      %reduce_sum3A_149 = arith.constant dense<0.000000e+00> : vector<8xf32>
      %reduce_sum3A_150 = vector.multi_reduction <add>, %convert_element_type3A_148, %reduce_sum3A_149 [0] : vector<256x8xf32> to vector<8xf32>
      %broadcast_in_dim3A_151 = vector.shape_cast %reduce_sum3A_150 : vector<8xf32> to vector<1x8xf32>
      %add3A_152 = arith.addf %add3A_142, %broadcast_in_dim3A_151 : vector<1x8xf32>
      %slice3A_153 = vector.extract_strided_slice %convert_element_type3A_76 {offsets = [1792, 0], sizes = [256, 8], strides = [1, 1]} : vector<2048x8xbf16> to vector<256x8xbf16>
      %dot_general3A_154 = arith.constant dense<0.000000e+00> : vector<256x8xf32>
      %dot_general3A_155 = tpu.matmul %convert_element_type3A_81, %slice3A_153, %dot_general3A_154 {dimension_numbers = #tpu.dot_dimension_numbers<[1], [0], [0], [1], [0, 0, 1, 1], [], []>, transpose_lhs_hint = false} : vector<256x256xbf16>, vector<256x8xbf16>, vector<256x8xf32> -> vector<256x8xf32>
      %add3A_156 = vector.broadcast %add3A_152 : vector<1x8xf32> to vector<256x8xf32>
      %add3A_157 = arith.addf %dot_general3A_155, %add3A_156 : vector<256x8xf32>
      %convert_element_type3A_158 = arith.extf %slice3A_153 : vector<256x8xbf16> to vector<256x8xf32>
      %reduce_sum3A_159 = arith.constant dense<0.000000e+00> : vector<8xf32>
      %reduce_sum3A_160 = vector.multi_reduction <add>, %convert_element_type3A_158, %reduce_sum3A_159 [0] : vector<256x8xf32> to vector<8xf32>
      %broadcast_in_dim3A_161 = vector.shape_cast %reduce_sum3A_160 : vector<8xf32> to vector<1x8xf32>
      %add3A_162 = arith.addf %add3A_152, %broadcast_in_dim3A_161 : vector<1x8xf32>
      %concatenate3A = tpu.concatenate %add3A_87, %add3A_97, %add3A_107, %add3A_117, %add3A_127, %add3A_137, %add3A_147, %add3A_157 in 0 : vector<256x8xf32>, vector<256x8xf32>, vector<256x8xf32>, vector<256x8xf32>, vector<256x8xf32>, vector<256x8xf32>, vector<256x8xf32>, vector<256x8xf32> -> vector<2048x8xf32>
      %div3A_163 = arith.constant 2.560000e+02 : f32
      %div3A_164 = vector.broadcast %div3A_163 : f32 to vector<1x8xf32>
      %div3A_165 = arith.divf %add3A_162, %div3A_164 : vector<1x8xf32>
      %ceil3A = math.ceil %div3A_165 : vector<1x8xf32>
      %mul3A_166 = arith.constant 2.560000e+02 : f32
      %mul3A_167 = vector.broadcast %mul3A_166 : f32 to vector<1x8xf32>
      %mul3A_168 = arith.mulf %ceil3A, %mul3A_167 : vector<1x8xf32>
      %iota3A_169 = tpu.iota {dimensions = array<i32: 0>} : vector<8x8xi32>
      %iota3A_170 = tpu.iota {dimensions = array<i32: 1>} : vector<8x8xi32>
      %lt3A_171 = arith.cmpi slt, %iota3A_169, %iota3A_170 : vector<8x8xi32>
      %convert_element_type3A_172 = arith.extui %lt3A_171 : vector<8x8xi1> to vector<8x8xi32>
      %convert_element_type3A_173 = arith.sitofp %convert_element_type3A_172 : vector<8x8xi32> to vector<8x8xf32>
      %dot_general3A_174 = arith.constant dense<0.000000e+00> : vector<1x8xf32>
      %dot_general3A_175 = tpu.matmul %mul3A_168, %convert_element_type3A_173, %dot_general3A_174 {dimension_numbers = #tpu.dot_dimension_numbers<[1], [0], [0], [1], [0, 0, 1, 1], [], []>, transpose_lhs_hint = false} : vector<1x8xf32>, vector<8x8xf32>, vector<1x8xf32> -> vector<1x8xf32>
      %add3A_176 = vector.broadcast %dot_general3A_175 : vector<1x8xf32> to vector<2048x8xf32>
      %add3A_177 = arith.addf %add3A_176, %concatenate3A : vector<2048x8xf32>
      %jit3A_178 = arith.constant 0.000000e+00 : f32
      %broadcast_in_dim3A_179 = vector.broadcast %jit3A_178 : f32 to vector<2048x8xf32>
      %select_n3A_180 = arith.select %eq3A_56, %add3A_177, %broadcast_in_dim3A_179 : vector<2048x8xi1>, vector<2048x8xf32>
      %reduce_sum3A_181 = arith.constant dense<0.000000e+00> : vector<2048xf32>
      %reduce_sum3A_182 = vector.multi_reduction <add>, %select_n3A_180, %reduce_sum3A_181 [1] : vector<2048x8xf32> to vector<2048xf32>
      %broadcast_in_dim3A_183 = vector.shape_cast %reduce_sum3A_182 : vector<2048xf32> to vector<2048x1xf32>
      %convert_element_type3A_184 = arith.fptosi %broadcast_in_dim3A_183 : vector<2048x1xf32> to vector<2048x1xi32>
      %swap3A_185 = arith.constant 0 : index
      %swap3A_186 = arith.constant 0 : index
      %swap3A_187 = vector.load %arg10[%swap3A_185, %swap3A_186] : memref<2048x1xi32, #tpu.memory_space<vmem>>, vector<2048x1xi32>
      tpu.vector_store %arg10[%swap3A_185, %swap3A_186], %convert_element_type3A_184 {strides = array<i32>} : memref<2048x1xi32, #tpu.memory_space<vmem>>, vector<2048x1xi32>,
      %jit3A_188 = arith.constant 0.000000e+00 : f32
      %broadcast_in_dim3A_189 = vector.broadcast %jit3A_188 : f32 to vector<2048x8xf32>
      %select_n3A_190 = arith.select %eq3A_64, %add3A_177, %broadcast_in_dim3A_189 : vector<2048x8xi1>, vector<2048x8xf32>
      %reduce_sum3A_191 = arith.constant dense<0.000000e+00> : vector<2048xf32>
      %reduce_sum3A_192 = vector.multi_reduction <add>, %select_n3A_190, %reduce_sum3A_191 [1] : vector<2048x8xf32> to vector<2048xf32>
      %broadcast_in_dim3A_193 = vector.shape_cast %reduce_sum3A_192 : vector<2048xf32> to vector<2048x1xf32>
      %convert_element_type3A_194 = arith.fptosi %broadcast_in_dim3A_193 : vector<2048x1xf32> to vector<2048x1xi32>
      %swap3A_195 = arith.constant 0 : index
      %swap3A_196 = arith.constant 0 : index
      %swap3A_197 = vector.load %arg11[%swap3A_195, %swap3A_196] : memref<2048x1xi32, #tpu.memory_space<vmem>>, vector<2048x1xi32>
      tpu.vector_store %arg11[%swap3A_195, %swap3A_196], %convert_element_type3A_194 {strides = array<i32>} : memref<2048x1xi32, #tpu.memory_space<vmem>>, vector<2048x1xi32>,
      %iota3A_198 = tpu.iota {dimensions = array<i32: 0>} : vector<32x1xi32>
      %convert_element_type3A_199 = arith.sitofp %iota3A_198 : vector<32x1xi32> to vector<32x1xf32>
      %mul3A_200 = arith.constant 2.560000e+02 : f32
      %mul3A_201 = vector.broadcast %mul3A_200 : f32 to vector<32x1xf32>
      %mul3A_202 = arith.mulf %convert_element_type3A_199, %mul3A_201 : vector<32x1xf32>
      %ge3A = vector.broadcast %mul3A_202 : vector<32x1xf32> to vector<32x8xf32>
      %ge3A_203 = vector.broadcast %dot_general3A_175 : vector<1x8xf32> to vector<32x8xf32>
      %ge3A_204 = arith.cmpf oge, %ge3A, %ge3A_203 : vector<32x8xf32>
      %add3A_205 = arith.addf %dot_general3A_175, %mul3A_168 : vector<1x8xf32>
      %lt3A_206 = vector.broadcast %mul3A_202 : vector<32x1xf32> to vector<32x8xf32>
      %lt3A_207 = vector.broadcast %add3A_205 : vector<1x8xf32> to vector<32x8xf32>
      %lt3A_208 = arith.cmpf olt, %lt3A_206, %lt3A_207 : vector<32x8xf32>
      %and3A = arith.andi %ge3A_204, %lt3A_208 : vector<32x8xi1>
      %iota3A_209 = tpu.iota {dimensions = array<i32: 1>} : vector<32x8xi32>
      %convert_element_type3A_210 = arith.sitofp %iota3A_209 : vector<32x8xi32> to vector<32x8xf32>
      %add3A_211 = arith.constant 1.000000e+00 : f32
      %add3A_212 = vector.broadcast %add3A_211 : f32 to vector<32x8xf32>
      %add3A_213 = arith.addf %convert_element_type3A_210, %add3A_212 : vector<32x8xf32>
      %jit3A_214 = arith.constant 0.000000e+00 : f32
      %broadcast_in_dim3A_215 = vector.broadcast %jit3A_214 : f32 to vector<32x8xf32>
      %select_n3A_216 = arith.select %and3A, %add3A_213, %broadcast_in_dim3A_215 : vector<32x8xi1>, vector<32x8xf32>
      %reduce_sum3A_217 = arith.constant dense<0.000000e+00> : vector<32xf32>
      %reduce_sum3A_218 = vector.multi_reduction <add>, %select_n3A_216, %reduce_sum3A_217 [1] : vector<32x8xf32> to vector<32xf32>
      %broadcast_in_dim3A_219 = vector.shape_cast %reduce_sum3A_218 : vector<32xf32> to vector<32x1xf32>
      %sub3A_220 = arith.constant 1.000000e+00 : f32
      %sub3A_221 = vector.broadcast %sub3A_220 : f32 to vector<32x1xf32>
      %sub3A_222 = arith.subf %broadcast_in_dim3A_219, %sub3A_221 : vector<32x1xf32>
      %convert_element_type3A_223 = arith.fptosi %sub3A_222 : vector<32x1xf32> to vector<32x1xi32>
      %swap3A_224 = arith.constant 0 : index
      %swap3A_225 = arith.constant 0 : index
      %swap3A_226 = vector.load %arg12[%swap3A_224, %swap3A_225] : memref<32x1xi32, #tpu.memory_space<vmem>>, vector<32x1xi32>
      tpu.vector_store %arg12[%swap3A_224, %swap3A_225], %convert_element_type3A_223 {strides = array<i32>} : memref<32x1xi32, #tpu.memory_space<vmem>>, vector<32x1xi32>,
      %squeeze3A = vector.shape_cast %broadcast_in_dim3A_48 : vector<2048x1xf32> to vector<2048xf32>
      %log3A = math.log %squeeze3A : vector<2048xf32>
      %squeeze3A_227 = vector.shape_cast %broadcast_in_dim3A_44 : vector<2048x1xf32> to vector<2048xf32>
      %add3A_228 = arith.addf %log3A, %squeeze3A_227 : vector<2048xf32>
      %mul3A_229 = arith.mulf %add3A_228, %add3A_228 : vector<2048xf32>
      %reduce_sum3A_230 = vector.shape_cast %mul3A_229 : vector<2048xf32> to vector<1x2048xf32>
      %reduce_sum3A_231 = arith.constant dense<0.000000e+00> : vector<1xf32>
      %reduce_sum3A_232 = vector.multi_reduction <add>, %reduce_sum3A_230, %reduce_sum3A_231 [1] : vector<1x2048xf32> to vector<1xf32>
      %reduce_sum3A_233 = vector.shape_cast %reduce_sum3A_232 : vector<1xf32> to vector<1x1xf32>
      %reduce_sum3A_234 = vector.extract %reduce_sum3A_233[0, 0] : f32 from vector<1x1xf32>
      %div3A_235 = arith.constant 2.048000e+03 : f32
      %div3A_236 = arith.divf %reduce_sum3A_234, %div3A_235 : f32
      %mul3A_237 = arith.constant 1.000000e-03 : f32
      %mul3A_238 = arith.mulf %mul3A_237, %div3A_236 : f32
      %squeeze3A_239 = vector.shape_cast %add3A_162 : vector<1x8xf32> to vector<8xf32>
      %div3A_240 = arith.constant 2.048000e+03 : f32
      %div3A_241 = vector.broadcast %div3A_240 : f32 to vector<8xf32>
      %div3A_242 = arith.divf %squeeze3A_239, %div3A_241 : vector<8xf32>
      %reduce_sum3A_243 = arith.constant dense<0.000000e+00> : vector<8xf32>
      %reduce_sum3A_244 = vector.multi_reduction <add>, %div3A_50, %reduce_sum3A_243 [0] : vector<2048x8xf32> to vector<8xf32>
      %div3A_245 = arith.constant 2.048000e+03 : f32
      %div3A_246 = vector.broadcast %div3A_245 : f32 to vector<8xf32>
      %div3A_247 = arith.divf %reduce_sum3A_244, %div3A_246 : vector<8xf32>
      %mul3A_248 = arith.mulf %div3A_242, %div3A_247 : vector<8xf32>
      %reduce_sum3A_249 = vector.shape_cast %mul3A_248 : vector<8xf32> to vector<1x8xf32>
      %reduce_sum3A_250 = arith.constant dense<0.000000e+00> : vector<1xf32>
      %reduce_sum3A_251 = vector.multi_reduction <add>, %reduce_sum3A_249, %reduce_sum3A_250 [1] : vector<1x8xf32> to vector<1xf32>
      %reduce_sum3A_252 = vector.shape_cast %reduce_sum3A_251 : vector<1xf32> to vector<1x1xf32>
      %reduce_sum3A_253 = vector.extract %reduce_sum3A_252[0, 0] : f32 from vector<1x1xf32>
      %mul3A_254 = arith.constant 8.000000e+00 : f32
      %mul3A_255 = arith.mulf %mul3A_254, %reduce_sum3A_253 : f32
      %add3A_256 = arith.addf %mul3A_255, %mul3A_238 : f32
      %reshape3A = vector.broadcast %add3A_256 : f32 to vector<1x1xf32>
      %swap3A_257 = arith.constant 0 : index
      %swap3A_258 = arith.constant 0 : index
      %swap3A_259 = vector.load %arg13[%swap3A_257, %swap3A_258] : memref<1x1xf32, #tpu.memory_space<vmem>>, vector<1x1xf32>
      tpu.vector_store %arg13[%swap3A_257, %swap3A_258], %reshape3A {strides = array<i32>} : memref<1x1xf32, #tpu.memory_space<vmem>>, vector<1x1xf32>,
    } else {
    }
    return
  }
  func.func @transform_0(%arg0: i32) -> (i32, i32) {
    %c0_i32 = arith.constant 0 : i32
    %c0_i32_0 = arith.constant 0 : i32
    return %arg0, %c0_i32 : i32, i32
  }
  func.func @transform_1(%arg0: i32) -> (i32, i32) {
    %c0_i32 = arith.constant 0 : i32
    %c0_i32_0 = arith.constant 0 : i32
    return %arg0, %c0_i32 : i32, i32
  }
  func.func @transform_2(%arg0: i32) -> (i32, i32) {
    %c0_i32 = arith.constant 0 : i32
    %c0_i32_0 = arith.constant 0 : i32
    %c0_i32_1 = arith.constant 0 : i32
    return %c0_i32, %c0_i32_0 : i32, i32
  }
  func.func @transform_3(%arg0: i32) -> (i32, i32) {
    %c0_i32 = arith.constant 0 : i32
    %c0_i32_0 = arith.constant 0 : i32
    %c0_i32_1 = arith.constant 0 : i32
    return %c0_i32, %c0_i32_0 : i32, i32
  }
  func.func @transform_4(%arg0: i32) -> (i32, i32) {
    %c0_i32 = arith.constant 0 : i32
    %c0_i32_0 = arith.constant 0 : i32
    %c0_i32_1 = arith.constant 0 : i32
    return %c0_i32, %c0_i32_0 : i32, i32
  }
  func.func @transform_5(%arg0: i32) -> (i32, i32) {
    %c0_i32 = arith.constant 0 : i32
    %c0_i32_0 = arith.constant 0 : i32
    return %arg0, %c0_i32 : i32, i32
  }
  func.func @transform_6(%arg0: i32) -> (i32, i32) {
    %c0_i32 = arith.constant 0 : i32
    %c0_i32_0 = arith.constant 0 : i32
    return %arg0, %c0_i32 : i32, i32
  }
  func.func @transform_7(%arg0: i32) -> (i32, i32) {
    %c0_i32 = arith.constant 0 : i32
    %c0_i32_0 = arith.constant 0 : i32
    %c0_i32_1 = arith.constant 0 : i32
    return %c0_i32, %c0_i32_0 : i32, i32
  }
  func.func @transform_8(%arg0: i32) -> (i32, i32) {
    %c0_i32 = arith.constant 0 : i32
    %c0_i32_0 = arith.constant 0 : i32
    %c0_i32_1 = arith.constant 0 : i32
    return %c0_i32, %c0_i32_0 : i32, i32
  }
  func.func @transform_9(%arg0: i32) -> (i32, i32) {
    %c0_i32 = arith.constant 0 : i32
    %c0_i32_0 = arith.constant 0 : i32
    %c0_i32_1 = arith.constant 0 : i32
    return %c0_i32, %c0_i32_0 : i32, i32
  }
  func.func @transform_10(%arg0: i32) -> (i32, i32) {
    %c0_i32 = arith.constant 0 : i32
    %c0_i32_0 = arith.constant 0 : i32
    %c0_i32_1 = arith.constant 0 : i32
    return %c0_i32, %c0_i32_0 : i32, i32
  }
  func.func @transform_11(%arg0: i32) -> (i32, i32) {
    %c0_i32 = arith.constant 0 : i32
    %c0_i32_0 = arith.constant 0 : i32
    %c0_i32_1 = arith.constant 0 : i32
    return %c0_i32, %c0_i32_0 : i32, i32
  }
  func.func @transform_12(%arg0: i32) -> (i32, i32) {
    %c0_i32 = arith.constant 0 : i32
    %c0_i32_0 = arith.constant 0 : i32
    %c0_i32_1 = arith.constant 0 : i32
    return %c0_i32, %c0_i32_0 : i32, i32
  }
}

module attributes {stable_mosaic.version = 14 : i64} {
  func.func @_moe_body(%arg0: i32, %arg1: memref<32xi32, #tpu.memory_space<smem>>, %arg2: memref<256x1024xf32, #tpu.memory_space<vmem>>, %arg3: memref<1x1024x1536xf32, #tpu.memory_space<vmem>>, %arg4: memref<1x1536x1024xf32, #tpu.memory_space<vmem>>, %arg5: memref<256x1024xf32, #tpu.memory_space<vmem>>) attributes {dimension_semantics = [#tpu.dimension_semantics<arbitrary>], iteration_bounds = array<i64: 24>, scalar_prefetch = 1 : i64, scratch_operands = 0 : i64, tpu.core_type = #tpu.core_type<tc>, window_params = [{transform_indices = @transform_0, window_bounds = array<i64: 256, 1024>}, {transform_indices = @transform_1, window_bounds = array<i64: 1, 1024, 1536>}, {transform_indices = @transform_2, window_bounds = array<i64: 1, 1536, 1024>}, {transform_indices = @transform_3, window_bounds = array<i64: 256, 1024>}]} {
    %get3A = arith.index_cast %arg0 : i32 to index
    %get3A_0 = memref.load %arg1[%get3A] : memref<32xi32, #tpu.memory_space<smem>>
    %ge3A = arith.constant 0 : i32
    %ge3A_1 = arith.cmpi sge, %get3A_0, %ge3A : i32
    %convert_element_type3A = arith.extui %ge3A_1 : i1 to i32
    %cond3A = arith.constant 0 : i32
    %cond3A_2 = arith.cmpi ne, %convert_element_type3A, %cond3A : i32
    scf.if %cond3A_2 {
      %get3A_3 = arith.constant 0 : index
      %get3A_4 = arith.constant 0 : index
      %get3A_5 = vector.load %arg2[%get3A_3, %get3A_4] : memref<256x1024xf32, #tpu.memory_space<vmem>>, vector<256x1024xf32>
      %convert_element_type3A_6 = arith.truncf %get3A_5 : vector<256x1024xf32> to vector<256x1024xbf16>
      %get3A_7 = arith.constant 0 : index
      %get3A_8 = arith.constant 0 : index
      %get3A_9 = arith.constant 0 : index
      %get3A_10 = vector.load %arg3[%get3A_7, %get3A_8, %get3A_9] : memref<1x1024x1536xf32, #tpu.memory_space<vmem>>, vector<1x1024x512xf32>
      %get3A_11 = vector.shape_cast %get3A_10 : vector<1x1024x512xf32> to vector<1024x512xf32>
      %convert_element_type3A_12 = arith.truncf %get3A_11 : vector<1024x512xf32> to vector<1024x512xbf16>
      %dot_general3A = arith.constant dense<0.000000e+00> : vector<256x512xf32>
      %dot_general3A_13 = tpu.matmul %convert_element_type3A_6, %convert_element_type3A_12, %dot_general3A {dimension_numbers = #tpu.dot_dimension_numbers<[1], [0], [0], [1], [0, 0, 1, 1], [], []>, transpose_lhs_hint = false} : vector<256x1024xbf16>, vector<1024x512xbf16>, vector<256x512xf32> -> vector<256x512xf32>
      %get3A_14 = arith.constant 0 : index
      %get3A_15 = arith.constant 0 : index
      %get3A_16 = arith.constant 512 : index
      %get3A_17 = vector.load %arg3[%get3A_14, %get3A_15, %get3A_16] : memref<1x1024x1536xf32, #tpu.memory_space<vmem>>, vector<1x1024x512xf32>
      %get3A_18 = vector.shape_cast %get3A_17 : vector<1x1024x512xf32> to vector<1024x512xf32>
      %convert_element_type3A_19 = arith.truncf %get3A_18 : vector<1024x512xf32> to vector<1024x512xbf16>
      %dot_general3A_20 = arith.constant dense<0.000000e+00> : vector<256x512xf32>
      %dot_general3A_21 = tpu.matmul %convert_element_type3A_6, %convert_element_type3A_19, %dot_general3A_20 {dimension_numbers = #tpu.dot_dimension_numbers<[1], [0], [0], [1], [0, 0, 1, 1], [], []>, transpose_lhs_hint = false} : vector<256x1024xbf16>, vector<1024x512xbf16>, vector<256x512xf32> -> vector<256x512xf32>
      %get3A_22 = arith.constant 0 : index
      %get3A_23 = arith.constant 0 : index
      %get3A_24 = arith.constant 1024 : index
      %get3A_25 = vector.load %arg3[%get3A_22, %get3A_23, %get3A_24] : memref<1x1024x1536xf32, #tpu.memory_space<vmem>>, vector<1x1024x512xf32>
      %get3A_26 = vector.shape_cast %get3A_25 : vector<1x1024x512xf32> to vector<1024x512xf32>
      %convert_element_type3A_27 = arith.truncf %get3A_26 : vector<1024x512xf32> to vector<1024x512xbf16>
      %dot_general3A_28 = arith.constant dense<0.000000e+00> : vector<256x512xf32>
      %dot_general3A_29 = tpu.matmul %convert_element_type3A_6, %convert_element_type3A_27, %dot_general3A_28 {dimension_numbers = #tpu.dot_dimension_numbers<[1], [0], [0], [1], [0, 0, 1, 1], [], []>, transpose_lhs_hint = false} : vector<256x1024xbf16>, vector<1024x512xbf16>, vector<256x512xf32> -> vector<256x512xf32>
      %concatenate3A = tpu.concatenate %dot_general3A_13, %dot_general3A_21, %dot_general3A_29 in 1 : vector<256x512xf32>, vector<256x512xf32>, vector<256x512xf32> -> vector<256x1536xf32>
      %integer_pow3A = arith.mulf %concatenate3A, %concatenate3A : vector<256x1536xf32>
      %integer_pow3A_30 = arith.mulf %concatenate3A, %integer_pow3A : vector<256x1536xf32>
      %mul3A = arith.constant 4.471500e-02 : f32
      %mul3A_31 = vector.broadcast %mul3A : f32 to vector<256x1536xf32>
      %mul3A_32 = arith.mulf %mul3A_31, %integer_pow3A_30 : vector<256x1536xf32>
      %add3A = arith.addf %concatenate3A, %mul3A_32 : vector<256x1536xf32>
      %mul3A_33 = arith.constant 0.797884583 : f32
      %mul3A_34 = vector.broadcast %mul3A_33 : f32 to vector<256x1536xf32>
      %mul3A_35 = arith.mulf %mul3A_34, %add3A : vector<256x1536xf32>
      %tanh3A = math.tanh %mul3A_35 : vector<256x1536xf32>
      %add3A_36 = arith.constant 1.000000e+00 : f32
      %add3A_37 = vector.broadcast %add3A_36 : f32 to vector<256x1536xf32>
      %add3A_38 = arith.addf %add3A_37, %tanh3A : vector<256x1536xf32>
      %mul3A_39 = arith.constant 5.000000e-01 : f32
      %mul3A_40 = vector.broadcast %mul3A_39 : f32 to vector<256x1536xf32>
      %mul3A_41 = arith.mulf %mul3A_40, %add3A_38 : vector<256x1536xf32>
      %mul3A_42 = arith.mulf %concatenate3A, %mul3A_41 : vector<256x1536xf32>
      %convert_element_type3A_43 = arith.truncf %mul3A_42 : vector<256x1536xf32> to vector<256x1536xbf16>
      %broadcast_in_dim3A = arith.constant 0.000000e+00 : f32
      %broadcast_in_dim3A_44 = vector.broadcast %broadcast_in_dim3A : f32 to vector<256x1024xf32>
      %get3A_45 = arith.constant 0 : index
      %get3A_46 = arith.constant 0 : index
      %get3A_47 = arith.constant 0 : index
      %get3A_48 = vector.load %arg4[%get3A_45, %get3A_46, %get3A_47] : memref<1x1536x1024xf32, #tpu.memory_space<vmem>>, vector<1x512x1024xf32>
      %get3A_49 = vector.shape_cast %get3A_48 : vector<1x512x1024xf32> to vector<512x1024xf32>
      %convert_element_type3A_50 = arith.truncf %get3A_49 : vector<512x1024xf32> to vector<512x1024xbf16>
      %slice3A = vector.extract_strided_slice %convert_element_type3A_43 {offsets = [0, 0], sizes = [256, 512], strides = [1, 1]} : vector<256x1536xbf16> to vector<256x512xbf16>
      %dot_general3A_51 = arith.constant dense<0.000000e+00> : vector<256x1024xf32>
      %dot_general3A_52 = tpu.matmul %slice3A, %convert_element_type3A_50, %dot_general3A_51 {dimension_numbers = #tpu.dot_dimension_numbers<[1], [0], [0], [1], [0, 0, 1, 1], [], []>, transpose_lhs_hint = false} : vector<256x512xbf16>, vector<512x1024xbf16>, vector<256x1024xf32> -> vector<256x1024xf32>
      %add3A_53 = arith.addf %broadcast_in_dim3A_44, %dot_general3A_52 : vector<256x1024xf32>
      %get3A_54 = arith.constant 0 : index
      %get3A_55 = arith.constant 512 : index
      %get3A_56 = arith.constant 0 : index
      %get3A_57 = vector.load %arg4[%get3A_54, %get3A_55, %get3A_56] : memref<1x1536x1024xf32, #tpu.memory_space<vmem>>, vector<1x512x1024xf32>
      %get3A_58 = vector.shape_cast %get3A_57 : vector<1x512x1024xf32> to vector<512x1024xf32>
      %convert_element_type3A_59 = arith.truncf %get3A_58 : vector<512x1024xf32> to vector<512x1024xbf16>
      %slice3A_60 = vector.extract_strided_slice %convert_element_type3A_43 {offsets = [0, 512], sizes = [256, 512], strides = [1, 1]} : vector<256x1536xbf16> to vector<256x512xbf16>
      %dot_general3A_61 = arith.constant dense<0.000000e+00> : vector<256x1024xf32>
      %dot_general3A_62 = tpu.matmul %slice3A_60, %convert_element_type3A_59, %dot_general3A_61 {dimension_numbers = #tpu.dot_dimension_numbers<[1], [0], [0], [1], [0, 0, 1, 1], [], []>, transpose_lhs_hint = false} : vector<256x512xbf16>, vector<512x1024xbf16>, vector<256x1024xf32> -> vector<256x1024xf32>
      %add3A_63 = arith.addf %add3A_53, %dot_general3A_62 : vector<256x1024xf32>
      %get3A_64 = arith.constant 0 : index
      %get3A_65 = arith.constant 1024 : index
      %get3A_66 = arith.constant 0 : index
      %get3A_67 = vector.load %arg4[%get3A_64, %get3A_65, %get3A_66] : memref<1x1536x1024xf32, #tpu.memory_space<vmem>>, vector<1x512x1024xf32>
      %get3A_68 = vector.shape_cast %get3A_67 : vector<1x512x1024xf32> to vector<512x1024xf32>
      %convert_element_type3A_69 = arith.truncf %get3A_68 : vector<512x1024xf32> to vector<512x1024xbf16>
      %slice3A_70 = vector.extract_strided_slice %convert_element_type3A_43 {offsets = [0, 1024], sizes = [256, 512], strides = [1, 1]} : vector<256x1536xbf16> to vector<256x512xbf16>
      %dot_general3A_71 = arith.constant dense<0.000000e+00> : vector<256x1024xf32>
      %dot_general3A_72 = tpu.matmul %slice3A_70, %convert_element_type3A_69, %dot_general3A_71 {dimension_numbers = #tpu.dot_dimension_numbers<[1], [0], [0], [1], [0, 0, 1, 1], [], []>, transpose_lhs_hint = false} : vector<256x512xbf16>, vector<512x1024xbf16>, vector<256x1024xf32> -> vector<256x1024xf32>
      %add3A_73 = arith.addf %add3A_63, %dot_general3A_72 : vector<256x1024xf32>
      %swap3A = arith.constant 0 : index
      %swap3A_74 = arith.constant 0 : index
      %swap3A_75 = vector.load %arg5[%swap3A, %swap3A_74] : memref<256x1024xf32, #tpu.memory_space<vmem>>, vector<256x1024xf32>
      tpu.vector_store %arg5[%swap3A, %swap3A_74], %add3A_73 {strides = array<i32>} : memref<256x1024xf32, #tpu.memory_space<vmem>>, vector<256x1024xf32>,
    } else {
    }
    return
  }
  func.func @transform_0(%arg0: i32, %arg1: memref<32xi32, #tpu.memory_space<smem>>) -> (i32, i32) {
    %c0_i32 = arith.constant 0 : i32
    %c0_i32_0 = arith.constant 0 : i32
    return %arg0, %c0_i32 : i32, i32
  }
  func.func @transform_1(%arg0: i32, %arg1: memref<32xi32, #tpu.memory_space<smem>>) -> (i32, i32, i32) {
    %get3A = arith.index_cast %arg0 : i32 to index
    %get3A_0 = memref.load %arg1[%get3A] : memref<32xi32, #tpu.memory_space<smem>>
    %max3A = arith.constant 0 : i32
    %max3A_1 = arith.maxsi %get3A_0, %max3A : i32
    %c0_i32 = arith.constant 0 : i32
    %c0_i32_2 = arith.constant 0 : i32
    %c0_i32_3 = arith.constant 0 : i32
    return %max3A_1, %c0_i32, %c0_i32_2 : i32, i32, i32
  }
  func.func @transform_2(%arg0: i32, %arg1: memref<32xi32, #tpu.memory_space<smem>>) -> (i32, i32, i32) {
    %get3A = arith.index_cast %arg0 : i32 to index
    %get3A_0 = memref.load %arg1[%get3A] : memref<32xi32, #tpu.memory_space<smem>>
    %max3A = arith.constant 0 : i32
    %max3A_1 = arith.maxsi %get3A_0, %max3A : i32
    %c0_i32 = arith.constant 0 : i32
    %c0_i32_2 = arith.constant 0 : i32
    %c0_i32_3 = arith.constant 0 : i32
    return %max3A_1, %c0_i32, %c0_i32_2 : i32, i32, i32
  }
  func.func @transform_3(%arg0: i32, %arg1: memref<32xi32, #tpu.memory_space<smem>>) -> (i32, i32) {
    %c0_i32 = arith.constant 0 : i32
    %c0_i32_0 = arith.constant 0 : i32
    return %arg0, %c0_i32 : i32, i32
  }
}

module attributes {stable_mosaic.version = 14 : i64} {
  func.func @_combine_body(%arg0: i32, %arg1: memref<256x1024xf32, #tpu.memory_space<vmem>>, %arg2: memref<256x1024xf32, #tpu.memory_space<vmem>>, %arg3: memref<256x1024xf32, #tpu.memory_space<vmem>>, %arg4: memref<256x1xf32, #tpu.memory_space<vmem>>, %arg5: memref<256x1xf32, #tpu.memory_space<vmem>>, %arg6: memref<256x1024xf32, #tpu.memory_space<vmem>>) attributes {dimension_semantics = [#tpu.dimension_semantics<arbitrary>], iteration_bounds = array<i64: 8>, scalar_prefetch = 0 : i64, scratch_operands = 0 : i64, tpu.core_type = #tpu.core_type<tc>, window_params = [{transform_indices = @transform_0, window_bounds = array<i64: 256, 1024>}, {transform_indices = @transform_1, window_bounds = array<i64: 256, 1024>}, {transform_indices = @transform_2, window_bounds = array<i64: 256, 1024>}, {transform_indices = @transform_3, window_bounds = array<i64: 256, 1>}, {transform_indices = @transform_4, window_bounds = array<i64: 256, 1>}, {transform_indices = @transform_5, window_bounds = array<i64: 256, 1024>}]} {
    %get3A = arith.constant 0 : index
    %get3A_0 = arith.constant 0 : index
    %get3A_1 = vector.load %arg1[%get3A, %get3A_0] : memref<256x1024xf32, #tpu.memory_space<vmem>>, vector<256x1024xf32>
    %get3A_2 = arith.constant 0 : index
    %get3A_3 = arith.constant 0 : index
    %get3A_4 = vector.load %arg4[%get3A_2, %get3A_3] : memref<256x1xf32, #tpu.memory_space<vmem>>, vector<256x1xf32>
    %get3A_5 = arith.constant 0 : index
    %get3A_6 = arith.constant 0 : index
    %get3A_7 = vector.load %arg2[%get3A_5, %get3A_6] : memref<256x1024xf32, #tpu.memory_space<vmem>>, vector<256x1024xf32>
    %mul3A = vector.broadcast %get3A_4 : vector<256x1xf32> to vector<256x1024xf32>
    %mul3A_8 = arith.mulf %mul3A, %get3A_7 : vector<256x1024xf32>
    %add3A = arith.addf %get3A_1, %mul3A_8 : vector<256x1024xf32>
    %get3A_9 = arith.constant 0 : index
    %get3A_10 = arith.constant 0 : index
    %get3A_11 = vector.load %arg5[%get3A_9, %get3A_10] : memref<256x1xf32, #tpu.memory_space<vmem>>, vector<256x1xf32>
    %get3A_12 = arith.constant 0 : index
    %get3A_13 = arith.constant 0 : index
    %get3A_14 = vector.load %arg3[%get3A_12, %get3A_13] : memref<256x1024xf32, #tpu.memory_space<vmem>>, vector<256x1024xf32>
    %mul3A_15 = vector.broadcast %get3A_11 : vector<256x1xf32> to vector<256x1024xf32>
    %mul3A_16 = arith.mulf %mul3A_15, %get3A_14 : vector<256x1024xf32>
    %add3A_17 = arith.addf %add3A, %mul3A_16 : vector<256x1024xf32>
    %swap3A = arith.constant 0 : index
    %swap3A_18 = arith.constant 0 : index
    %swap3A_19 = vector.load %arg6[%swap3A, %swap3A_18] : memref<256x1024xf32, #tpu.memory_space<vmem>>, vector<256x1024xf32>
    tpu.vector_store %arg6[%swap3A, %swap3A_18], %add3A_17 {strides = array<i32>} : memref<256x1024xf32, #tpu.memory_space<vmem>>, vector<256x1024xf32>,
    return
  }
  func.func @transform_0(%arg0: i32) -> (i32, i32) {
    %c0_i32 = arith.constant 0 : i32
    %c0_i32_0 = arith.constant 0 : i32
    return %arg0, %c0_i32 : i32, i32
  }
  func.func @transform_1(%arg0: i32) -> (i32, i32) {
    %c0_i32 = arith.constant 0 : i32
    %c0_i32_0 = arith.constant 0 : i32
    return %arg0, %c0_i32 : i32, i32
  }
  func.func @transform_2(%arg0: i32) -> (i32, i32) {
    %c0_i32 = arith.constant 0 : i32
    %c0_i32_0 = arith.constant 0 : i32
    return %arg0, %c0_i32 : i32, i32
  }
  func.func @transform_3(%arg0: i32) -> (i32, i32) {
    %c0_i32 = arith.constant 0 : i32
    %c0_i32_0 = arith.constant 0 : i32
    return %arg0, %c0_i32 : i32, i32
  }
  func.func @transform_4(%arg0: i32) -> (i32, i32) {
    %c0_i32 = arith.constant 0 : i32
    %c0_i32_0 = arith.constant 0 : i32
    return %arg0, %c0_i32 : i32, i32
  }
  func.func @transform_5(%arg0: i32) -> (i32, i32) {
    %c0_i32 = arith.constant 0 : i32
    %c0_i32_0 = arith.constant 0 : i32
    return %arg0, %c0_i32 : i32, i32
  }
}

</mosaic_0001>

<sc_bundles>
// kernel: kernel.12.cloned.1.call-start
scs
__scs_entry_jumppad:
0x0: {  	(pc) =	sbr.rel $0x88, $3  }
0x1: {  	(tag) =	ssettag $0x0;
	lr =	simm.s32 $0x1  }
0x2: {  	[smem:$0x3F97] =	sst lr;
	_ =	strace $0xD0000000  }
0x3: {  	_ = 	snop  }
0x4: {  	_ = 	snop  }
0x5: {  	_ = 	snop  }
0x6: {  	_ = 	snop  }
0x7: {  	_ = 	snop  }
__scs_overlays_trampoline_lowered:
0x8: {  	[smem:$0x3FA6] =	sst s0  }
0x9: {  	[smem:$0x3FA7] =	sst s1  }
0xa: {  	[smem:$0x3FA8] =	sst s2  }
0xb: {  	[smem:$0x3FA9] =	sst s3  }
0xc: {  	[smem:$0x3FAA] =	sst s4  }
0xd: {  	[smem:$0x3FAB] =	sst s5  }
0xe: {  	[smem:$0x3FAC] =	sst s6  }
0xf: {  	[smem:$0x3FAD] =	sst s7  }
0x10: {  	[smem:$0x3FAE] =	sst s8  }
0x11: {  	[smem:$0x3FAF] =	sst s9;
	s0 =	simm.s32 @!p0 $0x0  }
0x12: {  	s1 =	sld [smem:$0x3F95];
	s0 =	simm.s32 @p0 $0x1  }
0x13: {  	[smem:$0x3FB0] =	sst s0;
	s0 =	simm.s32 @!p1 $0x0  }
0x14: {  	s2 =	sld [smem:$0x3F94];
	s0 =	simm.s32 @p1 $0x1  }
0x15: {  	[smem:$0x3FB1] =	sst s0;
	s0 =	simm.s32 @!p2 $0x0  }
0x16: {  	s3 =	sld [smem:$0x3FDB];
	s0 =	simm.s32 @p2 $0x1  }
0x17: {  	s4 =	simm.s32 $0x1BF5;
	[smem:$0x3FB3] =	sst s0  }
0x18: {  	s0 =	sld [smem:$0x3F96];
	_ =	swait.ge [sflag:s4], $0x0  }
0x19: {  	s7 =	sld [smem:$0x3F97]  }
0x1a: {  	s8 =	sadd.s32 $0xFFFFE003, lr  }
0x1b: {  	s9 =	sadd.s32 $0xFFFFFEF7, lr;
	s5 =	simm.s32 $0xFFFFFFFF;
	p2 =	slt.u32 s8, $0xFFFFF086  }
0x1c: {  	p1 =	slt.u32 s9, $0xF7A;
	s5 =	simm.s32 @!p2 $0x0  }
0x1d: {  	s5 =	simm.s32 @p1 $0x1;
	p0 =	seq.s32 s7, s2  }
0x1e: {  	s7 =	smul.u32 @!p0 $0xF7A, s2;
	p2 =	seq.s32 @!p0 s5, $0x0  }
0x1f: {  	s9 =	smul.u32 $0xF7A, s1;
	s8 =	simm.s32 @!p0 $0x1BF5;
	p2 =	por !p2, p0  }
0x20: {  	[sflag:s8] =	ssyncset.s32 @!p0 $0xFFFFF086;
	s6 =	sadd.s32 @!p0 s3, s7;
	s7 =	simm.s32 @!p0 $0x108  }
0x21: {  	s3 =	sadd.s32 s3, s9;
	s6 =	sadd.s32 @!p0 $0x88, s6;
	s7 =	simm.s32 @p2 $0x1082  }
0x22: {  	[simem:s7], [sflag:s8] =	dma.local @!p0 [hbm:s6], $0xF7A  }
0x23: {  	s9 =	sor.u32 $0xD0000000, s2;
	s6 =	simm.s32 $0x108;
	_ =	swait.ge @!p0 [sflag:s8], $0x0  }
0x24: {  	s3 =	sadd.s32 $0x88, s3;
	s6 =	simm.s32 @!p1 $0x1082;
	[sflag:s4] =	ssyncset.s32 $0xFFFFF086  }
0x25: {  	[simem:s6], [sflag:s4] =	dma.local [hbm:s3], $0xF7A  }
0x26: {  	[smem:$0x3F97] =	sst s1;
	(tag) =	ssettag s2;
	_ =	strace s9  }
0x27: {  	s1 =	sld [smem:$0x3FA7]  }
0x28: {  	s2 =	sld [smem:$0x3FA8]  }
0x29: {  	s4 =	sld [smem:$0x3FAA]  }
0x2a: {  	p0 =	seq.s32 s5, $0x0;
	s5 =	sld [smem:$0x3FAB]  }
0x2b: {  	s6 =	sld [smem:$0x3FAC]  }
0x2c: {  	s7 =	sld [smem:$0x3FAD]  }
0x2d: {  	s3 =	simm.s32 $0x108;
	s8 =	sld [smem:$0x3FAE]  }
0x2e: {  	s3 =	simm.s32 @!p0 $0x1082;
	s9 =	sld [smem:$0x3FAF]  }
0x2f: {  	lr =	sadd.s32 s0, s3;
	s0 =	sld [smem:$0x3FA6]  }
0x30: {  	s3 =	sld [smem:$0x3FA9]  }
0x31: {  	[smem:$0x3FB2] =	sst s10  }
0x32: {  	s10 =	sld [smem:$0x3FB0];
	_ =	sdelay $0x3  }
0x33: {  	p0 =	seq.s32 s10, $0x1;
	s10 =	sld [smem:$0x3FB2];
	_ =	sdelay $0x3  }
0x34: {  	[smem:$0x3FB2] =	sst s10  }
0x35: {  	s10 =	sld [smem:$0x3FB1];
	_ =	sdelay $0x3  }
0x36: {  	p1 =	seq.s32 s10, $0x1;
	s10 =	sld [smem:$0x3FB2];
	_ =	sdelay $0x3  }
0x37: {  	[smem:$0x3FB2] =	sst s10  }
0x38: {  	s10 =	sld [smem:$0x3FB3]  }
0x39: {  	_ = 	snop;
	(pc) =	sbr.ind lr, $3  }
0x3a: {  	_ = 	snop  }
0x3b: {  	_ = 	snop  }
0x3c: {  	p2 =	seq.s32 s10, $0x1;
	s10 =	sld [smem:$0x3FB2]  }
0x3d: {  	_ =	shalt  }
0x3e: {  	_ =	shalt  }
0x3f: {  	_ =	shalt  }
0x40: {  	_ =	shalt  }
0x41: {  	_ =	shalt  }
0x42: {  	_ =	shalt  }
0x43: {  	_ =	shalt  }
0x44: {  	_ =	shalt  }
0x45: {  	_ =	shalt  }
0x46: {  	_ =	shalt  }
0x47: {  	_ =	shalt  }
0x48: {  	_ =	shalt  }
0x49: {  	_ =	shalt  }
0x4a: {  	_ =	shalt  }
0x4b: {  	_ =	shalt  }
0x4c: {  	_ =	shalt  }
0x4d: {  	_ =	shalt  }
0x4e: {  	_ =	shalt  }
0x4f: {  	_ =	shalt  }
0x50: {  	_ =	shalt  }
0x51: {  	_ =	shalt  }
0x52: {  	_ =	shalt  }
0x53: {  	_ =	shalt  }
0x54: {  	_ =	shalt  }
0x55: {  	_ =	shalt  }
0x56: {  	_ =	shalt  }
0x57: {  	_ =	shalt  }
0x58: {  	_ =	shalt  }
0x59: {  	_ =	shalt  }
0x5a: {  	_ =	shalt  }
0x5b: {  	_ =	shalt  }
0x5c: {  	_ =	shalt  }
0x5d: {  	_ =	shalt  }
0x5e: {  	_ =	shalt  }
0x5f: {  	_ =	shalt  }
0x60: {  	_ =	shalt  }
0x61: {  	_ =	shalt  }
0x62: {  	_ =	shalt  }
0x63: {  	_ =	shalt  }
0x64: {  	_ =	shalt  }
0x65: {  	_ =	shalt  }
0x66: {  	_ =	shalt  }
0x67: {  	_ =	shalt  }
0x68: {  	_ =	shalt  }
0x69: {  	_ =	shalt  }
0x6a: {  	_ =	shalt  }
0x6b: {  	_ =	shalt  }
0x6c: {  	_ =	shalt  }
0x6d: {  	_ =	shalt  }
0x6e: {  	_ =	shalt  }
0x6f: {  	_ =	shalt  }
0x70: {  	_ =	shalt  }
0x71: {  	_ =	shalt  }
0x72: {  	_ =	shalt  }
0x73: {  	_ =	shalt  }
0x74: {  	_ =	shalt  }
0x75: {  	_ =	shalt  }
0x76: {  	_ =	shalt  }
0x77: {  	_ =	shalt  }
0x78: {  	_ =	shalt  }
0x79: {  	_ =	shalt  }
0x7a: {  	_ =	shalt  }
0x7b: {  	_ =	shalt  }
0x7c: {  	_ =	shalt  }
0x7d: {  	_ =	shalt  }
0x7e: {  	_ =	shalt  }
0x7f: {  	_ =	shalt  }
0x80: {  	_ =	shalt  }
0x81: {  	_ =	shalt  }
0x82: {  	_ =	shalt  }
0x83: {  	_ =	shalt  }
0x84: {  	_ =	shalt  }
0x85: {  	_ =	shalt  }
0x86: {  	_ =	shalt  }
0x87: {  	_ =	shalt  }
.Lfunc_end0:
.L_simem_size_0:
called_computation.1_lowered:
.L_overlay_start_0:
0x88: {  	s2 =	sld [smem:$0x3FD9]  }
0x89: {  	s3 =	sld [smem:$0x3FFE];
	_ =	sdelay $0x1  }
0x8a: {  	s1 =	srdreg.scid  }
0x8b: {  	s0 =	sand.u32 $0x1, s1  }
0x8c: {  	s14 =	sshll.u32 s0, $0xA;
	s2 =	sadd.s32 s3, s2  }
0x8d: {  	s2 =	sadd.s32 s2, s14  }
0x8e: {  	[smem:$0x3FBE] =	sst s2  }
0x8f: {  	_ = 	snop  }
0x90: {  	s2 =	sld [smem:$0x3FD0];
	_ =	sdelay $0x2  }
0x91: {  	s15 =	simm.s32 $0xA;
	s4 =	simm.s32 $0x10  }
0x92: {  	[smem:s4], [sflag:s15] =	dma.local [hbm:s2], $0x1  }
0x93: {  	_ =	swait.eq [sflag:s15], $0x1  }
0x94: {  	[sflag:s15] =	ssyncset.done $0x0  }
0x95: {  	[sflag:s15] =	ssyncadd.s32 $0xFFFFFFFF  }
0x96: {  	s16 =	sld [smem:$0x10];
	(tm) =	ssettm $0x1  }
0x97: {  	s17 =	sld [smem:$0x3FFB];
	_ =	sdelay $0x3  }
0x98: {  	_ =	strace s17  }
0x99: {  	s3 =	sld [smem:$0x3FFC];
	_ =	sdelay $0x3  }
0x9a: {  	_ =	strace s3  }
0x9b: {  	s3 =	sld [smem:$0x3FFD];
	_ =	sdelay $0x3  }
0x9c: {  	_ =	strace s3  }
0x9d: {  	_ =	strace $0x8FFFFFFF  }
0x9e: {  	s18 =	sld [smem:$0x3FDB];
	_ =	sdelay $0x1  }
0x9f: {  	s19 =	simm.s32 $_scs_section_size  }
0xa0: {  	s5 =	simm.s32 $_size__tile_overlayer_lowered;
	s6 =	simm.s32 $_tile_overlayer_lowered  }
0xa1: {  	s22 =	simm.s32 $0x1BFF;
	s21 =	sshll.u32 s6, $0x1;
	s3 =	sadd.s32 s19, s18  }
0xa2: {  	s7 =	simm.s32 $0x0;
	s20 =	sshll.u32 s5, $0x1;
	s5 =	sadd.s32 s21, s3  }
0xa3: {  	[timem:s7], [sflag:s22] =	dma.local [hbm:s5], s20  }
0xa4: {  	_ =	swait.ge [sflag:s22], s20  }
0xa5: {  	s4 =	ssub.s32 $0x0, s20;
	[sflag:s22] =	ssyncset.done $0x0  }
0xa6: {  	[sflag:s22] =	ssyncadd.s32 s4;
	_ =	sdelay $0x1  }
0xa7: {  	s23 =	simm.s32 $0x1B8B  }
0xa8: {  	_ =	swait.ge [sflag:s23], $0x1  }
0xa9: {  	[sflag:s23] =	ssyncset.done $0x0  }
0xaa: {  	s25 =	simm.s32 $0x1B8E;
	s24 =	sld [smem:$0x3FFE];
	[sflag:s23] =	ssyncadd.s32 $0xFFFFFFFF  }
0xab: {  	s26 =	simm.s32 $execute0_lowered;
	[smem:$0x3FD2] =	sst s25  }
0xac: {  	s5 =	sshll.u32 s26, $0x1;
	_ =	strace $0x80000049;
	[dreg:$0x1] =	wrdreg $0xFFFFFFFF  }
0xad: {  	s28 =	simm.s32 $_size_execute0_lowered;
	s3 =	sadd.s32 s3, s5;
	[dreg:$0x0] =	wrdreg $0x0  }
0xae: {  	s5 =	sshll.u32 s28, $0x1;
	[dreg:$0x2] =	wrdreg s3  }
0xaf: {  	[dreg:$0x3] =	wrdreg s5  }
0xb0: {  	[dreg:$0x4] =	wrdreg $0xC0  }
0xb1: {  	_ =	task [dreg:s7], $0x5FFFF  }
0xb2: {  	[dreg:$0x1] =	wrdreg $0xFFFFFFFF  }
0xb3: {  	[dreg:$0x0] =	wrdreg $0x60  }
0xb4: {  	[dreg:$0x2] =	wrdreg s24  }
0xb5: {  	[dreg:$0x3] =	wrdreg s16  }
0xb6: {  	[dreg:$0x4] =	wrdreg $0x9  }
0xb7: {  	_ =	task.clear_ibuf [dreg:s7], $0x5FFFF;
	_ =	strace $0x90000049  }
0xb8: {  	s29 =	simm.s32 $0x9;
	_ =	strace $0x8000004B  }
0xb9: {  	_ =	swait.ge [sflag:s29], $0x1  }
0xba: {  	[sflag:s29] =	ssyncadd.s32 $0xFFFFFFFF  }
0xbb: {  	_ =	strace $0x9000004B  }
0xbc: {  	_ =	sfence  }
0xbd: {  	s30 =	sld [smem:$0x0];
	_ =	sdelay $0x2  }
0xbe: {  	s31 =	sshll.u32 s1, $0xD;
	s1 =	sshrl.u32 s1, $0x2  }
0xbf: {  	s3 =	sand.u32 $0x4000, s31;
	s1 =	sadd.s32 s1, s30  }
0xc0: {  	s0 =	sor.u32 s3, s0;
	s1 =	sshll.u32 s1, $0x11  }
0xc1: {  	s0 =	sor.u32 s1, s0  }
0xc2: {  	s0 =	sadd.s32 $0x8F2B, s0  }
0xc3: {  	[sflag:s0] =	ssyncadd.remote.s32 $0x1  }
0xc4: {  	_ =	sfence.sel $0xFFFF  }
0xc5: {  	[dreg:$0x0] =	wrdreg $0xFFFFFFFF;
	(pc) =	sbr.abs _section_cstart, $3  }
0xc6: {  	[dreg:$0x1] =	wrdreg $0xFFFFFFFF  }
0xc7: {  	_ =	task.clear_ibuf [dreg:s7], $0x2FFFF;
	_ =	strace $0x9FFFFFFF  }
0xc8: {  	(tm) =	ssettm $0x7FFFFFFF  }
0xc9: {  	_ =	shalt  }
tec
execute0_lowered:
.L_overlay_start_1:
0x0: {  	(tag) =	ssettag $0x1  }
0x1: {  	s0 =	rddreg [dreg:$0x0]  }
0x2: {  	s1 =	rddreg [dreg:$0x1]  }
0x3: {  	s2 =	srdreg.scid;
	s3 =	stileid.u32  }
0x4: {  	s26 =	simm.s32 $0x80;
	s18 =	simm.s32 $0x1;
	s21 =	simm.s32 $0x1100  }
0x5: {  	s22 =	simm.s32 $0x1900;
	s23 =	simm.s32 $0x2100;
	s28 =	simm.s32 $0x4100  }
0x6: {  	s29 =	simm.s32 $0x4900;
	s30 =	simm.s32 $0x5100;
	s31 =	simm.s32 $0x5900  }
0x7: {  	s10 =	simm.s32 $0x7100;
	s11 =	simm.s32 $0x7900;
	s12 =	simm.s32 $0x8100  }
0x8: {  	s13 =	simm.s32 $0x8900;
	s14 =	simm.s32 $0x9100;
	s15 =	simm.s32 $0x9900  }
0x9: {  	s16 =	simm.s32 $0xA100;
	s17 =	simm.s32 $0xA900;
	s4 =	sand.u32 $0x1, s2  }
0xa: {  	s2 =	simm.s32 $0x0;
	s3 =	sshll.u32 s3, $0x7;
	s5 =	sshll.u32 s4, $0x6  }
0xb: {  	[smem:$0x7FF] =	sst s2;
	s4 =	ssub.s32 $0x2, s4;
	s5 =	sor.u32 s5, s3  }
0xc: {  	_ =	strace $0x8000004A;
	s3 =	sadd.s32 $0x102200, s0;
	s8 =	sshrl.u32 s4, $0x1  }
0xd: {  	[dreg:$0x7] =	wrdreg s26;
	s26 =	simm.s32 $0x3900;
	s6 =	sshrl.u32 s5, $0x3  }
0xe: {  	s5 =	sshll.u32 s5, $0x7;
	s8 =	ssub.s32 s4, s8;
	s4 =	sadd.s32 $0x102300, s0  }
0xf: {  	s6 =	sadd.s32 s6, s0;
	s7 =	sadd.s32 s5, s0;
	s1 =	sadd.s32 s1, s5  }
0x10: {  	s5 =	sadd.s32 $0x102400, s0;
	s9 =	sadd.s32 $0x41E00, s6;
	[dreg:$0x5] =	wrdreg s1  }
0x11: {  	s24 =	sadd.s32 $0x42000, s6;
	s25 =	sadd.s32 $0x42200, s7;
	[dreg:$0x3] =	wrdreg s9  }
0x12: {  	v2 =	vlaneseq.u32;
	s6 =	sadd.s32 $0x102500, s0;
	s7 =	smax.u32 s8, $0x1;
	[dreg:$0x4] =	wrdreg s24  }
0x13: {  	vm0 =	vmmov $0xffff;
	v1 =	vshrl.u32 v2, $0x3;
	s8 =	simm.s32 $0x2;
	s0 =	simm.s32 $0x100;
	[dreg:$0x6] =	wrdreg s25  }
0x14: {  	v0 =	vand.u32 $0x7, v2;
	v2 =	vor.u32 $0x8, v2;
	v1 =	vmul.u32 $0x8, v1;
	s24 =	simm.s32 $0x2900;
	s25 =	simm.s32 $0x3100;
	s9 =	simm.s32 $0xB100  }
.LBB2_1:
0x15: {  	s19 =	rddreg [dreg:$0x3]  }
0x16: {  	[tilespmem:s2], [sflag:$0x2] =	stream.linear.gather [hbm4b:s19+s2], $0x40, $0x38;
	[tilespmem:$0x10100] =	vst v63  }
0x17: {  	_ =	swait.ge [sflag:s8], $0x40  }
0x18: {  	s1 =	rddreg [dreg:$0x4];
	[sflag:s8] =	ssyncset.done $0x0  }
0x19: {  	s20 =	rddreg [dreg:$0x7];
	[sflag:s8] =	ssyncadd.s32 $0xFFFFFFC0  }
0x1a: {  	[tilespmem:s20], [sflag:$0x2] =	stream.linear.gather [hbm4b:s1+s2], $0x40, $0x38;
	[tilespmem:$0x10100] =	vst v63  }
0x1b: {  	_ =	swait.ge [sflag:s8], $0x40  }
0x1c: {  	[sflag:s8] =	ssyncset.done $0x0  }
0x1d: {  	[sflag:s8] =	ssyncadd.s32 $0xFFFFFFC0  }
0x1e: {  	v3 =	vld [tilespmem:$0x0];
	_ =	sdelay $0x4  }
0x1f: {  	v4 =	vshll.u32 v3, $0x3  }
0x20: {  	v3 =	vand.u32 $0x7, v3;
	v4 =	vand.u32 $0xFFFFFFC0, v4  }
0x21: {  	v3 =	vor.u32 v3, v4  }
0x22: {  	v4 =	vperm.xlane v3, v0;
	_ =	sdelay $0x1  }
0x23: {  	v4 =	vadd.s32 v1, v4;
	_ =	sdelay $0x4  }
0x24: {  	[tilespmem:s0], [sflag:$0x1] =	stream.indirect_vreg.gather [hbm4b:s3+s2], $0x80, v4, vm0, $0xb8;
	[tilespmem:$0x10100] =	vst v63  }
0x25: {  	s20 =	simm.s32 $0x900;
	v3 =	vperm.xlane v3, v2  }
0x26: {  	[tilespmem:s20], [sflag:$0x1] =	stream.indirect_vreg.gather [hbm4b:s4+s2], $0x80, v4, vm0, $0xb8;
	[tilespmem:$0x10100] =	vst v63  }
0x27: {  	v3 =	vadd.s32 v1, v3  }
0x28: {  	[tilespmem:s21], [sflag:$0x1] =	stream.indirect_vreg.gather [hbm4b:s5+s2], $0x80, v4, vm0, $0xb8;
	[tilespmem:$0x10100] =	vst v63  }
0x29: {  	_ = 	snop  }
0x2a: {  	[tilespmem:s22], [sflag:$0x1] =	stream.indirect_vreg.gather [hbm4b:s6+s2], $0x80, v4, vm0, $0xb8;
	[tilespmem:$0x10100] =	vst v63  }
0x2b: {  	_ = 	snop  }
0x2c: {  	[tilespmem:s23], [sflag:$0x1] =	stream.indirect_vreg.gather [hbm4b:s3+s2], $0x80, v3, vm0, $0xb8;
	[tilespmem:$0x10100] =	vst v63  }
0x2d: {  	_ = 	snop  }
0x2e: {  	[tilespmem:s24], [sflag:$0x1] =	stream.indirect_vreg.gather [hbm4b:s4+s2], $0x80, v3, vm0, $0xb8;
	[tilespmem:$0x10100] =	vst v63  }
0x2f: {  	_ = 	snop  }
0x30: {  	[tilespmem:s25], [sflag:$0x1] =	stream.indirect_vreg.gather [hbm4b:s5+s2], $0x80, v3, vm0, $0xb8;
	[tilespmem:$0x10100] =	vst v63  }
0x31: {  	_ = 	snop  }
0x32: {  	[tilespmem:s26], [sflag:$0x1] =	stream.indirect_vreg.gather [hbm4b:s6+s2], $0x80, v3, vm0, $0xb8;
	[tilespmem:$0x10100] =	vst v63  }
0x33: {  	v3 =	vld [tilespmem:$0x10];
	_ =	sdelay $0x4  }
0x34: {  	v57 =	vshll.u32 v3, $0x3  }
0x35: {  	v3 =	vand.u32 $0x7, v3;
	v4 =	vand.u32 $0xFFFFFFC0, v57  }
0x36: {  	v3 =	vor.u32 v3, v4  }
0x37: {  	v4 =	vperm.xlane v3, v0;
	_ =	sdelay $0x1  }
0x38: {  	v4 =	vadd.s32 v1, v4;
	_ =	sdelay $0x4  }
0x39: {  	[tilespmem:s28], [sflag:$0x1] =	stream.indirect_vreg.gather [hbm4b:s3+s2], $0x80, v4, vm0, $0xb8;
	[tilespmem:$0x10100] =	vst v63  }
0x3a: {  	v3 =	vperm.xlane v3, v2  }
0x3b: {  	[tilespmem:s29], [sflag:$0x1] =	stream.indirect_vreg.gather [hbm4b:s4+s2], $0x80, v4, vm0, $0xb8;
	[tilespmem:$0x10100] =	vst v63  }
0x3c: {  	v3 =	vadd.s32 v1, v3  }
0x3d: {  	[tilespmem:s30], [sflag:$0x1] =	stream.indirect_vreg.gather [hbm4b:s5+s2], $0x80, v4, vm0, $0xb8;
	[tilespmem:$0x10100] =	vst v63  }
0x3e: {  	_ = 	snop  }
0x3f: {  	[tilespmem:s31], [sflag:$0x1] =	stream.indirect_vreg.gather [hbm4b:s6+s2], $0x80, v4, vm0, $0xb8;
	[tilespmem:$0x10100] =	vst v63  }
0x40: {  	s1 =	simm.s32 $0x6100  }
0x41: {  	[tilespmem:s1], [sflag:$0x1] =	stream.indirect_vreg.gather [hbm4b:s3+s2], $0x80, v3, vm0, $0xb8;
	[tilespmem:$0x10100] =	vst v63  }
0x42: {  	s1 =	simm.s32 $0x6900  }
0x43: {  	[tilespmem:s1], [sflag:$0x1] =	stream.indirect_vreg.gather [hbm4b:s4+s2], $0x80, v3, vm0, $0xb8;
	[tilespmem:$0x10100] =	vst v63  }
0x44: {  	_ = 	snop  }
0x45: {  	[tilespmem:s10], [sflag:$0x1] =	stream.indirect_vreg.gather [hbm4b:s5+s2], $0x80, v3, vm0, $0xb8;
	[tilespmem:$0x10100] =	vst v63  }
0x46: {  	_ = 	snop  }
0x47: {  	[tilespmem:s11], [sflag:$0x1] =	stream.indirect_vreg.gather [hbm4b:s6+s2], $0x80, v3, vm0, $0xb8;
	[tilespmem:$0x10100] =	vst v63  }
0x48: {  	v3 =	vld [tilespmem:$0x20];
	_ =	sdelay $0x4  }
0x49: {  	v58 =	vshll.u32 v3, $0x3  }
0x4a: {  	v3 =	vand.u32 $0x7, v3;
	v4 =	vand.u32 $0xFFFFFFC0, v58  }
0x4b: {  	v3 =	vor.u32 v3, v4  }
0x4c: {  	v4 =	vperm.xlane v3, v0;
	_ =	sdelay $0x1  }
0x4d: {  	v4 =	vadd.s32 v1, v4;
	_ =	sdelay $0x4  }
0x4e: {  	[tilespmem:s12], [sflag:$0x1] =	stream.indirect_vreg.gather [hbm4b:s3+s2], $0x80, v4, vm0, $0xb8;
	[tilespmem:$0x10100] =	vst v63  }
0x4f: {  	v3 =	vperm.xlane v3, v2  }
0x50: {  	[tilespmem:s13], [sflag:$0x1] =	stream.indirect_vreg.gather [hbm4b:s4+s2], $0x80, v4, vm0, $0xb8;
	[tilespmem:$0x10100] =	vst v63  }
0x51: {  	v3 =	vadd.s32 v1, v3  }
0x52: {  	[tilespmem:s14], [sflag:$0x1] =	stream.indirect_vreg.gather [hbm4b:s5+s2], $0x80, v4, vm0, $0xb8;
	[tilespmem:$0x10100] =	vst v63  }
0x53: {  	_ = 	snop  }
0x54: {  	[tilespmem:s15], [sflag:$0x1] =	stream.indirect_vreg.gather [hbm4b:s6+s2], $0x80, v4, vm0, $0xb8;
	[tilespmem:$0x10100] =	vst v63  }
0x55: {  	_ = 	snop  }
0x56: {  	[tilespmem:s16], [sflag:$0x1] =	stream.indirect_vreg.gather [hbm4b:s3+s2], $0x80, v3, vm0, $0xb8;
	[tilespmem:$0x10100] =	vst v63  }
0x57: {  	_ = 	snop  }
0x58: {  	[tilespmem:s17], [sflag:$0x1] =	stream.indirect_vreg.gather [hbm4b:s4+s2], $0x80, v3, vm0, $0xb8;
	[tilespmem:$0x10100] =	vst v63  }
0x59: {  	_ = 	snop  }
0x5a: {  	[tilespmem:s9], [sflag:$0x1] =	stream.indirect_vreg.gather [hbm4b:s5+s2], $0x80, v3, vm0, $0xb8;
	[tilespmem:$0x10100] =	vst v63  }
0x5b: {  	s19 =	simm.s32 $0xB900  }
0x5c: {  	[tilespmem:s19], [sflag:$0x1] =	stream.indirect_vreg.gather [hbm4b:s6+s2], $0x80, v3, vm0, $0xb8;
	[tilespmem:$0x10100] =	vst v63  }
0x5d: {  	v3 =	vld [tilespmem:$0x30];
	_ =	sdelay $0x4  }
0x5e: {  	v59 =	vshll.u32 v3, $0x3  }
0x5f: {  	v3 =	vand.u32 $0x7, v3;
	v4 =	vand.u32 $0xFFFFFFC0, v59  }
0x60: {  	v3 =	vor.u32 v3, v4  }
0x61: {  	v4 =	vperm.xlane v3, v0;
	_ =	sdelay $0x1  }
0x62: {  	v4 =	vadd.s32 v1, v4;
	_ =	sdelay $0x3  }
0x63: {  	s19 =	simm.s32 $0xC100  }
0x64: {  	[tilespmem:s19], [sflag:$0x1] =	stream.indirect_vreg.gather [hbm4b:s3+s2], $0x80, v4, vm0, $0xb8;
	[tilespmem:$0x10100] =	vst v63  }
0x65: {  	v3 =	vperm.xlane v3, v2;
	s19 =	simm.s32 $0xC900  }
0x66: {  	[tilespmem:s19], [sflag:$0x1] =	stream.indirect_vreg.gather [hbm4b:s4+s2], $0x80, v4, vm0, $0xb8;
	[tilespmem:$0x10100] =	vst v63  }
0x67: {  	v3 =	vadd.s32 v1, v3;
	s19 =	simm.s32 $0xD100  }
0x68: {  	[tilespmem:s19], [sflag:$0x1] =	stream.indirect_vreg.gather [hbm4b:s5+s2], $0x80, v4, vm0, $0xb8;
	[tilespmem:$0x10100] =	vst v63  }
0x69: {  	s19 =	simm.s32 $0xD900  }
0x6a: {  	[tilespmem:s19], [sflag:$0x1] =	stream.indirect_vreg.gather [hbm4b:s6+s2], $0x80, v4, vm0, $0xb8;
	[tilespmem:$0x10100] =	vst v63  }
0x6b: {  	s19 =	simm.s32 $0xE100  }
0x6c: {  	[tilespmem:s19], [sflag:$0x1] =	stream.indirect_vreg.gather [hbm4b:s3+s2], $0x80, v3, vm0, $0xb8;
	[tilespmem:$0x10100] =	vst v63  }
0x6d: {  	s19 =	simm.s32 $0xE900  }
0x6e: {  	[tilespmem:s19], [sflag:$0x1] =	stream.indirect_vreg.gather [hbm4b:s4+s2], $0x80, v3, vm0, $0xb8;
	[tilespmem:$0x10100] =	vst v63  }
0x6f: {  	s19 =	simm.s32 $0xF100  }
0x70: {  	[tilespmem:s19], [sflag:$0x1] =	stream.indirect_vreg.gather [hbm4b:s5+s2], $0x80, v3, vm0, $0xb8;
	[tilespmem:$0x10100] =	vst v63  }
0x71: {  	s19 =	simm.s32 $0xF900  }
0x72: {  	[tilespmem:s19], [sflag:$0x1] =	stream.indirect_vreg.gather [hbm4b:s6+s2], $0x80, v3, vm0, $0xb8;
	[tilespmem:$0x10100] =	vst v63  }
0x73: {  	_ =	swait.ge [sflag:s18], $0x10000  }
0x74: {  	[sflag:s18] =	ssyncset.done $0x0  }
0x75: {  	s19 =	rddreg [dreg:$0x5];
	[sflag:s18] =	ssyncadd.s32 $0xFFFF0000  }
0x76: {  	[hbm4b:s19+s2] =	stream.linear.scatter [tilespmem:s0], [sflag:$0x2], $0x10000, $0x38;
	[tilespmem:$0x10100] =	vst v63  }
0x77: {  	_ =	swait.ge [sflag:s8], $0x10000  }
0x78: {  	[sflag:s8] =	ssyncset.done $0x0  }
0x79: {  	[sflag:s8] =	ssyncadd.s32 $0xFFFF0000  }
0x7a: {  	v3 =	vld [tilespmem:$0x80];
	_ =	sdelay $0x4  }
0x7b: {  	v60 =	vshll.u32 v3, $0x3  }
0x7c: {  	v3 =	vand.u32 $0x7, v3;
	v4 =	vand.u32 $0xFFFFFFC0, v60  }
0x7d: {  	v3 =	vor.u32 v3, v4  }
0x7e: {  	v4 =	vperm.xlane v3, v0;
	_ =	sdelay $0x1  }
0x7f: {  	v4 =	vadd.s32 v1, v4;
	_ =	sdelay $0x4  }
0x80: {  	[tilespmem:s0], [sflag:$0x1] =	stream.indirect_vreg.gather [hbm4b:s3+s2], $0x80, v4, vm0, $0xb8;
	[tilespmem:$0x10100] =	vst v63  }
0x81: {  	v3 =	vperm.xlane v3, v2  }
0x82: {  	[tilespmem:s20], [sflag:$0x1] =	stream.indirect_vreg.gather [hbm4b:s4+s2], $0x80, v4, vm0, $0xb8;
	[tilespmem:$0x10100] =	vst v63  }
0x83: {  	v3 =	vadd.s32 v1, v3  }
0x84: {  	[tilespmem:s21], [sflag:$0x1] =	stream.indirect_vreg.gather [hbm4b:s5+s2], $0x80, v4, vm0, $0xb8;
	[tilespmem:$0x10100] =	vst v63  }
0x85: {  	_ = 	snop  }
0x86: {  	[tilespmem:s22], [sflag:$0x1] =	stream.indirect_vreg.gather [hbm4b:s6+s2], $0x80, v4, vm0, $0xb8;
	[tilespmem:$0x10100] =	vst v63  }
0x87: {  	_ = 	snop  }
0x88: {  	[tilespmem:s23], [sflag:$0x1] =	stream.indirect_vreg.gather [hbm4b:s3+s2], $0x80, v3, vm0, $0xb8;
	[tilespmem:$0x10100] =	vst v63  }
0x89: {  	_ = 	snop  }
0x8a: {  	[tilespmem:s24], [sflag:$0x1] =	stream.indirect_vreg.gather [hbm4b:s4+s2], $0x80, v3, vm0, $0xb8;
	[tilespmem:$0x10100] =	vst v63  }
0x8b: {  	_ = 	snop  }
0x8c: {  	[tilespmem:s25], [sflag:$0x1] =	stream.indirect_vreg.gather [hbm4b:s5+s2], $0x80, v3, vm0, $0xb8;
	[tilespmem:$0x10100] =	vst v63  }
0x8d: {  	_ = 	snop  }
0x8e: {  	[tilespmem:s26], [sflag:$0x1] =	stream.indirect_vreg.gather [hbm4b:s6+s2], $0x80, v3, vm0, $0xb8;
	[tilespmem:$0x10100] =	vst v63  }
0x8f: {  	v3 =	vld [tilespmem:$0x90];
	_ =	sdelay $0x4  }
0x90: {  	v61 =	vshll.u32 v3, $0x3  }
0x91: {  	v3 =	vand.u32 $0x7, v3;
	v4 =	vand.u32 $0xFFFFFFC0, v61  }
0x92: {  	v3 =	vor.u32 v3, v4  }
0x93: {  	v4 =	vperm.xlane v3, v0;
	_ =	sdelay $0x1  }
0x94: {  	v4 =	vadd.s32 v1, v4;
	_ =	sdelay $0x4  }
0x95: {  	[tilespmem:s28], [sflag:$0x1] =	stream.indirect_vreg.gather [hbm4b:s3+s2], $0x80, v4, vm0, $0xb8;
	[tilespmem:$0x10100] =	vst v63  }
0x96: {  	v3 =	vperm.xlane v3, v2  }
0x97: {  	[tilespmem:s29], [sflag:$0x1] =	stream.indirect_vreg.gather [hbm4b:s4+s2], $0x80, v4, vm0, $0xb8;
	[tilespmem:$0x10100] =	vst v63  }
0x98: {  	v3 =	vadd.s32 v1, v3  }
0x99: {  	[tilespmem:s30], [sflag:$0x1] =	stream.indirect_vreg.gather [hbm4b:s5+s2], $0x80, v4, vm0, $0xb8;
	[tilespmem:$0x10100] =	vst v63  }
0x9a: {  	_ = 	snop  }
0x9b: {  	[tilespmem:s31], [sflag:$0x1] =	stream.indirect_vreg.gather [hbm4b:s6+s2], $0x80, v4, vm0, $0xb8;
	[tilespmem:$0x10100] =	vst v63  }
0x9c: {  	s20 =	simm.s32 $0x6100  }
0x9d: {  	[tilespmem:s20], [sflag:$0x1] =	stream.indirect_vreg.gather [hbm4b:s3+s2], $0x80, v3, vm0, $0xb8;
	[tilespmem:$0x10100] =	vst v63  }
0x9e: {  	_ = 	snop  }
0x9f: {  	[tilespmem:s1], [sflag:$0x1] =	stream.indirect_vreg.gather [hbm4b:s4+s2], $0x80, v3, vm0, $0xb8;
	[tilespmem:$0x10100] =	vst v63  }
0xa0: {  	_ = 	snop  }
0xa1: {  	[tilespmem:s10], [sflag:$0x1] =	stream.indirect_vreg.gather [hbm4b:s5+s2], $0x80, v3, vm0, $0xb8;
	[tilespmem:$0x10100] =	vst v63  }
0xa2: {  	_ = 	snop  }
0xa3: {  	[tilespmem:s11], [sflag:$0x1] =	stream.indirect_vreg.gather [hbm4b:s6+s2], $0x80, v3, vm0, $0xb8;
	[tilespmem:$0x10100] =	vst v63  }
0xa4: {  	v3 =	vld [tilespmem:$0xA0];
	_ =	sdelay $0x4  }
0xa5: {  	v62 =	vshll.u32 v3, $0x3  }
0xa6: {  	v3 =	vand.u32 $0x7, v3;
	v4 =	vand.u32 $0xFFFFFFC0, v62  }
0xa7: {  	v3 =	vor.u32 v3, v4  }
0xa8: {  	v4 =	vperm.xlane v3, v0;
	_ =	sdelay $0x1  }
0xa9: {  	v4 =	vadd.s32 v1, v4;
	_ =	sdelay $0x4  }
0xaa: {  	[tilespmem:s12], [sflag:$0x1] =	stream.indirect_vreg.gather [hbm4b:s3+s2], $0x80, v4, vm0, $0xb8;
	[tilespmem:$0x10100] =	vst v63  }
0xab: {  	v3 =	vperm.xlane v3, v2  }
0xac: {  	[tilespmem:s13], [sflag:$0x1] =	stream.indirect_vreg.gather [hbm4b:s4+s2], $0x80, v4, vm0, $0xb8;
	[tilespmem:$0x10100] =	vst v63  }
0xad: {  	v3 =	vadd.s32 v1, v3  }
0xae: {  	[tilespmem:s14], [sflag:$0x1] =	stream.indirect_vreg.gather [hbm4b:s5+s2], $0x80, v4, vm0, $0xb8;
	[tilespmem:$0x10100] =	vst v63  }
0xaf: {  	_ = 	snop  }
0xb0: {  	[tilespmem:s15], [sflag:$0x1] =	stream.indirect_vreg.gather [hbm4b:s6+s2], $0x80, v4, vm0, $0xb8;
	[tilespmem:$0x10100] =	vst v63  }
0xb1: {  	_ = 	snop  }
0xb2: {  	[tilespmem:s16], [sflag:$0x1] =	stream.indirect_vreg.gather [hbm4b:s3+s2], $0x80, v3, vm0, $0xb8;
	[tilespmem:$0x10100] =	vst v63  }
0xb3: {  	_ = 	snop  }
0xb4: {  	[tilespmem:s17], [sflag:$0x1] =	stream.indirect_vreg.gather [hbm4b:s4+s2], $0x80, v3, vm0, $0xb8;
	[tilespmem:$0x10100] =	vst v63  }
0xb5: {  	_ = 	snop  }
0xb6: {  	[tilespmem:s9], [sflag:$0x1] =	stream.indirect_vreg.gather [hbm4b:s5+s2], $0x80, v3, vm0, $0xb8;
	[tilespmem:$0x10100] =	vst v63  }
0xb7: {  	s19 =	simm.s32 $0xB900  }
0xb8: {  	[tilespmem:s19], [sflag:$0x1] =	stream.indirect_vreg.gather [hbm4b:s6+s2], $0x80, v3, vm0, $0xb8;
	[tilespmem:$0x10100] =	vst v63  }
0xb9: {  	v3 =	vld [tilespmem:$0xB0];
	_ =	sdelay $0x4  }
0xba: {  	v63 =	vshll.u32 v3, $0x3  }
0xbb: {  	v3 =	vand.u32 $0x7, v3;
	v4 =	vand.u32 $0xFFFFFFC0, v63  }
0xbc: {  	v3 =	vor.u32 v3, v4  }
0xbd: {  	v4 =	vperm.xlane v3, v0;
	_ =	sdelay $0x1  }
0xbe: {  	v4 =	vadd.s32 v1, v4;
	_ =	sdelay $0x3  }
0xbf: {  	s20 =	simm.s32 $0xC100  }
0xc0: {  	[tilespmem:s20], [sflag:$0x1] =	stream.indirect_vreg.gather [hbm4b:s3+s2], $0x80, v4, vm0, $0xb8;
	[tilespmem:$0x10100] =	vst v63  }
0xc1: {  	s19 =	simm.s32 $0xC900;
	v3 =	vperm.xlane v3, v2  }
0xc2: {  	[tilespmem:s19], [sflag:$0x1] =	stream.indirect_vreg.gather [hbm4b:s4+s2], $0x80, v4, vm0, $0xb8;
	[tilespmem:$0x10100] =	vst v63  }
0xc3: {  	v3 =	vadd.s32 v1, v3;
	s20 =	simm.s32 $0xD100  }
0xc4: {  	[tilespmem:s20], [sflag:$0x1] =	stream.indirect_vreg.gather [hbm4b:s5+s2], $0x80, v4, vm0, $0xb8;
	[tilespmem:$0x10100] =	vst v63  }
0xc5: {  	s19 =	simm.s32 $0xD900  }
0xc6: {  	[tilespmem:s19], [sflag:$0x1] =	stream.indirect_vreg.gather [hbm4b:s6+s2], $0x80, v4, vm0, $0xb8;
	[tilespmem:$0x10100] =	vst v63  }
0xc7: {  	s20 =	simm.s32 $0xE100  }
0xc8: {  	[tilespmem:s20], [sflag:$0x1] =	stream.indirect_vreg.gather [hbm4b:s3+s2], $0x80, v3, vm0, $0xb8;
	[tilespmem:$0x10100] =	vst v63  }
0xc9: {  	s19 =	simm.s32 $0xE900  }
0xca: {  	[tilespmem:s19], [sflag:$0x1] =	stream.indirect_vreg.gather [hbm4b:s4+s2], $0x80, v3, vm0, $0xb8;
	[tilespmem:$0x10100] =	vst v63  }
0xcb: {  	s20 =	simm.s32 $0xF100  }
0xcc: {  	[tilespmem:s20], [sflag:$0x1] =	stream.indirect_vreg.gather [hbm4b:s5+s2], $0x80, v3, vm0, $0xb8;
	[tilespmem:$0x10100] =	vst v63  }
0xcd: {  	s19 =	simm.s32 $0xF900  }
0xce: {  	[tilespmem:s19], [sflag:$0x1] =	stream.indirect_vreg.gather [hbm4b:s6+s2], $0x80, v3, vm0, $0xb8;
	[tilespmem:$0x10100] =	vst v63  }
0xcf: {  	_ =	swait.ge [sflag:s18], $0x10000  }
0xd0: {  	p0 =	sne.s32 s7, $0x1;
	[sflag:s18] =	ssyncset.done $0x0  }
.Ltmp0:
0xd1: {  	s20 =	rddreg [dreg:$0x6];
	[sflag:s18] =	ssyncadd.s32 $0xFFFF0000;
	(pc) =	sbr.rel @p0 .LBB2_1-.Ltmp0, $4  }
0xd2: {  	[hbm4b:s20+s2] =	stream.linear.scatter [tilespmem:s0], [sflag:$0x2], $0x10000, $0x38;
	[tilespmem:$0x10100] =	vst v63  }
0xd3: {  	_ =	swait.ge [sflag:s8], $0x10000  }
0xd4: {  	[sflag:s8] =	ssyncset.done $0x0  }
0xd5: {  	s7 =	sadd.s32 $0xFFFFFFFF, s7;
	[sflag:s8] =	ssyncadd.s32 $0xFFFF0000  }
0xd6: {  	_ =	sfence.sel $0x180000  }
0xd7: {  	[bflag:$0x0] =	sbarrier.arrive $0xFFFF  }
0xd8: {  	_ =	strace $0x9000004A  }
0xd9: {  	s0 =	stileid.u32;
	[bflag:$0x2] =	sbarrier.arrive $0xFFFF  }
0xda: {  	p0 =	sne.s32 s0, $0x0;
	s0 =	rddreg [dreg:$0x2]  }
0xdb: {  	s0 =	sadd.s32 @!p0 $0x100000, s0  }
0xdc: {  	[sflag:s0] =	ssyncadd.tile.s32 @!p0 $0x1;
	_ =	shalt  }
.Lfunc_end2:
_tile_overlayer_lowered:
.L_overlay_start_2:
0xdd: {  	(tag) =	ssettag $0x2  }
0xde: {  	s0 =	rddreg [dreg:$0x0];
	s2 =	stileid.u32  }
0xdf: {  	s1 =	rddreg [dreg:$0x1];
	p0 =	sne.s32 s2, $0x0  }
0xe0: {  	s3 =	rddreg [dreg:$0x2];
	[bflag:$0x3] =	sbarrier.arrive $0xFFFF;
	s2 =	simm.s32 @!p0 $0x1C02  }
0xe1: {  	[timem:s3], [sflag:s2] =	dma.local @!p0 [hbm:s0], s1  }
0xe2: {  	s0 =	simm.s32 @!p0 $0x2  }
0xe3: {  	_ =	swait.ge @!p0 [sflag:s0], s1  }
0xe4: {  	s1 =	ssub.s32 @!p0 $0x0, s1;
	[sflag:s0] =	ssyncset.done @!p0 $0x0  }
0xe5: {  	[sflag:s0] =	ssyncadd.s32 @!p0 s1  }
0xe6: {  	[bflag:$0x3] =	sbarrier.arrive $0xFFFF  }
0xe7: {  	_ =	shalt  }

// kernel: kernel.9.cloned.1.call-start
scs
__scs_entry_jumppad:
0x0: {  	(pc) =	sbr.rel $0x88, $3  }
0x1: {  	(tag) =	ssettag $0x0;
	lr =	simm.s32 $0x1  }
0x2: {  	[smem:$0x3F97] =	sst lr;
	_ =	strace $0xD0000000  }
0x3: {  	_ = 	snop  }
0x4: {  	_ = 	snop  }
0x5: {  	_ = 	snop  }
0x6: {  	_ = 	snop  }
0x7: {  	_ = 	snop  }
__scs_overlays_trampoline_lowered:
0x8: {  	[smem:$0x3FA6] =	sst s0  }
0x9: {  	[smem:$0x3FA7] =	sst s1  }
0xa: {  	[smem:$0x3FA8] =	sst s2  }
0xb: {  	[smem:$0x3FA9] =	sst s3  }
0xc: {  	[smem:$0x3FAA] =	sst s4  }
0xd: {  	[smem:$0x3FAB] =	sst s5  }
0xe: {  	[smem:$0x3FAC] =	sst s6  }
0xf: {  	[smem:$0x3FAD] =	sst s7  }
0x10: {  	[smem:$0x3FAE] =	sst s8  }
0x11: {  	[smem:$0x3FAF] =	sst s9;
	s0 =	simm.s32 @!p0 $0x0  }
0x12: {  	s1 =	sld [smem:$0x3F95];
	s0 =	simm.s32 @p0 $0x1  }
0x13: {  	[smem:$0x3FB0] =	sst s0;
	s0 =	simm.s32 @!p1 $0x0  }
0x14: {  	s2 =	sld [smem:$0x3F94];
	s0 =	simm.s32 @p1 $0x1  }
0x15: {  	[smem:$0x3FB1] =	sst s0;
	s0 =	simm.s32 @!p2 $0x0  }
0x16: {  	s3 =	sld [smem:$0x3FDB];
	s0 =	simm.s32 @p2 $0x1  }
0x17: {  	s4 =	simm.s32 $0x1BF5;
	[smem:$0x3FB3] =	sst s0  }
0x18: {  	s0 =	sld [smem:$0x3F96];
	_ =	swait.ge [sflag:s4], $0x0  }
0x19: {  	s7 =	sld [smem:$0x3F97]  }
0x1a: {  	s8 =	sadd.s32 $0xFFFFE003, lr  }
0x1b: {  	s9 =	sadd.s32 $0xFFFFFEF7, lr;
	s5 =	simm.s32 $0xFFFFFFFF;
	p2 =	slt.u32 s8, $0xFFFFF086  }
0x1c: {  	p1 =	slt.u32 s9, $0xF7A;
	s5 =	simm.s32 @!p2 $0x0  }
0x1d: {  	s5 =	simm.s32 @p1 $0x1;
	p0 =	seq.s32 s7, s2  }
0x1e: {  	s7 =	smul.u32 @!p0 $0xF7A, s2;
	p2 =	seq.s32 @!p0 s5, $0x0  }
0x1f: {  	s9 =	smul.u32 $0xF7A, s1;
	s8 =	simm.s32 @!p0 $0x1BF5;
	p2 =	por !p2, p0  }
0x20: {  	[sflag:s8] =	ssyncset.s32 @!p0 $0xFFFFF086;
	s6 =	sadd.s32 @!p0 s3, s7;
	s7 =	simm.s32 @!p0 $0x108  }
0x21: {  	s3 =	sadd.s32 s3, s9;
	s6 =	sadd.s32 @!p0 $0x88, s6;
	s7 =	simm.s32 @p2 $0x1082  }
0x22: {  	[simem:s7], [sflag:s8] =	dma.local @!p0 [hbm:s6], $0xF7A  }
0x23: {  	s9 =	sor.u32 $0xD0000000, s2;
	s6 =	simm.s32 $0x108;
	_ =	swait.ge @!p0 [sflag:s8], $0x0  }
0x24: {  	s3 =	sadd.s32 $0x88, s3;
	s6 =	simm.s32 @!p1 $0x1082;
	[sflag:s4] =	ssyncset.s32 $0xFFFFF086  }
0x25: {  	[simem:s6], [sflag:s4] =	dma.local [hbm:s3], $0xF7A  }
0x26: {  	[smem:$0x3F97] =	sst s1;
	(tag) =	ssettag s2;
	_ =	strace s9  }
0x27: {  	s1 =	sld [smem:$0x3FA7]  }
0x28: {  	s2 =	sld [smem:$0x3FA8]  }
0x29: {  	s4 =	sld [smem:$0x3FAA]  }
0x2a: {  	p0 =	seq.s32 s5, $0x0;
	s5 =	sld [smem:$0x3FAB]  }
0x2b: {  	s6 =	sld [smem:$0x3FAC]  }
0x2c: {  	s7 =	sld [smem:$0x3FAD]  }
0x2d: {  	s3 =	simm.s32 $0x108;
	s8 =	sld [smem:$0x3FAE]  }
0x2e: {  	s3 =	simm.s32 @!p0 $0x1082;
	s9 =	sld [smem:$0x3FAF]  }
0x2f: {  	lr =	sadd.s32 s0, s3;
	s0 =	sld [smem:$0x3FA6]  }
0x30: {  	s3 =	sld [smem:$0x3FA9]  }
0x31: {  	[smem:$0x3FB2] =	sst s10  }
0x32: {  	s10 =	sld [smem:$0x3FB0];
	_ =	sdelay $0x3  }
0x33: {  	p0 =	seq.s32 s10, $0x1;
	s10 =	sld [smem:$0x3FB2];
	_ =	sdelay $0x3  }
0x34: {  	[smem:$0x3FB2] =	sst s10  }
0x35: {  	s10 =	sld [smem:$0x3FB1];
	_ =	sdelay $0x3  }
0x36: {  	p1 =	seq.s32 s10, $0x1;
	s10 =	sld [smem:$0x3FB2];
	_ =	sdelay $0x3  }
0x37: {  	[smem:$0x3FB2] =	sst s10  }
0x38: {  	s10 =	sld [smem:$0x3FB3]  }
0x39: {  	_ = 	snop;
	(pc) =	sbr.ind lr, $3  }
0x3a: {  	_ = 	snop  }
0x3b: {  	_ = 	snop  }
0x3c: {  	p2 =	seq.s32 s10, $0x1;
	s10 =	sld [smem:$0x3FB2]  }
0x3d: {  	_ =	shalt  }
0x3e: {  	_ =	shalt  }
0x3f: {  	_ =	shalt  }
0x40: {  	_ =	shalt  }
0x41: {  	_ =	shalt  }
0x42: {  	_ =	shalt  }
0x43: {  	_ =	shalt  }
0x44: {  	_ =	shalt  }
0x45: {  	_ =	shalt  }
0x46: {  	_ =	shalt  }
0x47: {  	_ =	shalt  }
0x48: {  	_ =	shalt  }
0x49: {  	_ =	shalt  }
0x4a: {  	_ =	shalt  }
0x4b: {  	_ =	shalt  }
0x4c: {  	_ =	shalt  }
0x4d: {  	_ =	shalt  }
0x4e: {  	_ =	shalt  }
0x4f: {  	_ =	shalt  }
0x50: {  	_ =	shalt  }
0x51: {  	_ =	shalt  }
0x52: {  	_ =	shalt  }
0x53: {  	_ =	shalt  }
0x54: {  	_ =	shalt  }
0x55: {  	_ =	shalt  }
0x56: {  	_ =	shalt  }
0x57: {  	_ =	shalt  }
0x58: {  	_ =	shalt  }
0x59: {  	_ =	shalt  }
0x5a: {  	_ =	shalt  }
0x5b: {  	_ =	shalt  }
0x5c: {  	_ =	shalt  }
0x5d: {  	_ =	shalt  }
0x5e: {  	_ =	shalt  }
0x5f: {  	_ =	shalt  }
0x60: {  	_ =	shalt  }
0x61: {  	_ =	shalt  }
0x62: {  	_ =	shalt  }
0x63: {  	_ =	shalt  }
0x64: {  	_ =	shalt  }
0x65: {  	_ =	shalt  }
0x66: {  	_ =	shalt  }
0x67: {  	_ =	shalt  }
0x68: {  	_ =	shalt  }
0x69: {  	_ =	shalt  }
0x6a: {  	_ =	shalt  }
0x6b: {  	_ =	shalt  }
0x6c: {  	_ =	shalt  }
0x6d: {  	_ =	shalt  }
0x6e: {  	_ =	shalt  }
0x6f: {  	_ =	shalt  }
0x70: {  	_ =	shalt  }
0x71: {  	_ =	shalt  }
0x72: {  	_ =	shalt  }
0x73: {  	_ =	shalt  }
0x74: {  	_ =	shalt  }
0x75: {  	_ =	shalt  }
0x76: {  	_ =	shalt  }
0x77: {  	_ =	shalt  }
0x78: {  	_ =	shalt  }
0x79: {  	_ =	shalt  }
0x7a: {  	_ =	shalt  }
0x7b: {  	_ =	shalt  }
0x7c: {  	_ =	shalt  }
0x7d: {  	_ =	shalt  }
0x7e: {  	_ =	shalt  }
0x7f: {  	_ =	shalt  }
0x80: {  	_ =	shalt  }
0x81: {  	_ =	shalt  }
0x82: {  	_ =	shalt  }
0x83: {  	_ =	shalt  }
0x84: {  	_ =	shalt  }
0x85: {  	_ =	shalt  }
0x86: {  	_ =	shalt  }
0x87: {  	_ =	shalt  }
.Lfunc_end0:
.L_simem_size_0:
called_computation_lowered:
.L_overlay_start_0:
0x88: {  	s2 =	sld [smem:$0x3FD9]  }
0x89: {  	s3 =	sld [smem:$0x3FFE];
	_ =	sdelay $0x1  }
0x8a: {  	s1 =	srdreg.scid  }
0x8b: {  	s0 =	sand.u32 $0x1, s1  }
0x8c: {  	s14 =	sshll.u32 s0, $0xA;
	s2 =	sadd.s32 s3, s2  }
0x8d: {  	s2 =	sadd.s32 s2, s14  }
0x8e: {  	[smem:$0x3FBE] =	sst s2  }
0x8f: {  	_ = 	snop  }
0x90: {  	s2 =	sld [smem:$0x3FD0];
	_ =	sdelay $0x2  }
0x91: {  	s15 =	simm.s32 $0xA;
	s4 =	simm.s32 $0x10  }
0x92: {  	[smem:s4], [sflag:s15] =	dma.local [hbm:s2], $0x1  }
0x93: {  	_ =	swait.eq [sflag:s15], $0x1  }
0x94: {  	[sflag:s15] =	ssyncset.done $0x0  }
0x95: {  	[sflag:s15] =	ssyncadd.s32 $0xFFFFFFFF  }
0x96: {  	s16 =	sld [smem:$0x10];
	(tm) =	ssettm $0x1  }
0x97: {  	s17 =	sld [smem:$0x3FFB];
	_ =	sdelay $0x3  }
0x98: {  	_ =	strace s17  }
0x99: {  	s3 =	sld [smem:$0x3FFC];
	_ =	sdelay $0x3  }
0x9a: {  	_ =	strace s3  }
0x9b: {  	s3 =	sld [smem:$0x3FFD];
	_ =	sdelay $0x3  }
0x9c: {  	_ =	strace s3  }
0x9d: {  	_ =	strace $0x8FFFFFFF  }
0x9e: {  	s18 =	sld [smem:$0x3FDB];
	_ =	sdelay $0x1  }
0x9f: {  	s19 =	simm.s32 $_scs_section_size  }
0xa0: {  	s5 =	simm.s32 $_size__tile_overlayer_lowered;
	s6 =	simm.s32 $_tile_overlayer_lowered  }
0xa1: {  	s22 =	simm.s32 $0x1BFF;
	s21 =	sshll.u32 s6, $0x1;
	s3 =	sadd.s32 s19, s18  }
0xa2: {  	s7 =	simm.s32 $0x0;
	s20 =	sshll.u32 s5, $0x1;
	s5 =	sadd.s32 s21, s3  }
0xa3: {  	[timem:s7], [sflag:s22] =	dma.local [hbm:s5], s20  }
0xa4: {  	_ =	swait.ge [sflag:s22], s20  }
0xa5: {  	s4 =	ssub.s32 $0x0, s20;
	[sflag:s22] =	ssyncset.done $0x0  }
0xa6: {  	[sflag:s22] =	ssyncadd.s32 s4;
	_ =	sdelay $0x1  }
0xa7: {  	s23 =	simm.s32 $0x1B8B  }
0xa8: {  	_ =	swait.ge [sflag:s23], $0x1  }
0xa9: {  	[sflag:s23] =	ssyncset.done $0x0  }
0xaa: {  	s25 =	simm.s32 $0x1B8E;
	s24 =	sld [smem:$0x3FFE];
	[sflag:s23] =	ssyncadd.s32 $0xFFFFFFFF  }
0xab: {  	s26 =	simm.s32 $execute0_lowered;
	[smem:$0x3FD2] =	sst s25  }
0xac: {  	s5 =	sshll.u32 s26, $0x1;
	_ =	strace $0x80000046;
	[dreg:$0x1] =	wrdreg $0xFFFFFFFF  }
0xad: {  	s28 =	simm.s32 $_size_execute0_lowered;
	s3 =	sadd.s32 s3, s5;
	[dreg:$0x0] =	wrdreg $0x0  }
0xae: {  	s5 =	sshll.u32 s28, $0x1;
	[dreg:$0x2] =	wrdreg s3  }
0xaf: {  	[dreg:$0x3] =	wrdreg s5  }
0xb0: {  	[dreg:$0x4] =	wrdreg $0xC0  }
0xb1: {  	_ =	task [dreg:s7], $0x5FFFF  }
0xb2: {  	[dreg:$0x1] =	wrdreg $0xFFFFFFFF  }
0xb3: {  	[dreg:$0x0] =	wrdreg $0x60  }
0xb4: {  	[dreg:$0x2] =	wrdreg s16  }
0xb5: {  	[dreg:$0x3] =	wrdreg s24  }
0xb6: {  	[dreg:$0x4] =	wrdreg $0x9  }
0xb7: {  	_ =	task.clear_ibuf [dreg:s7], $0x5FFFF;
	_ =	strace $0x90000046  }
0xb8: {  	s29 =	simm.s32 $0x9;
	_ =	strace $0x80000048  }
0xb9: {  	_ =	swait.ge [sflag:s29], $0x1  }
0xba: {  	[sflag:s29] =	ssyncadd.s32 $0xFFFFFFFF  }
0xbb: {  	_ =	strace $0x90000048  }
0xbc: {  	_ =	sfence  }
0xbd: {  	s30 =	sld [smem:$0x0];
	_ =	sdelay $0x2  }
0xbe: {  	s31 =	sshll.u32 s1, $0xD;
	s1 =	sshrl.u32 s1, $0x2  }
0xbf: {  	s3 =	sand.u32 $0x4000, s31;
	s1 =	sadd.s32 s1, s30  }
0xc0: {  	s0 =	sor.u32 s3, s0;
	s1 =	sshll.u32 s1, $0x11  }
0xc1: {  	s0 =	sor.u32 s1, s0  }
0xc2: {  	s0 =	sadd.s32 $0x8F2B, s0  }
0xc3: {  	[sflag:s0] =	ssyncadd.remote.s32 $0x1  }
0xc4: {  	_ =	sfence.sel $0xFFFF  }
0xc5: {  	[dreg:$0x0] =	wrdreg $0xFFFFFFFF;
	(pc) =	sbr.abs _section_cstart, $3  }
0xc6: {  	[dreg:$0x1] =	wrdreg $0xFFFFFFFF  }
0xc7: {  	_ =	task.clear_ibuf [dreg:s7], $0x2FFFF;
	_ =	strace $0x9FFFFFFF  }
0xc8: {  	(tm) =	ssettm $0x7FFFFFFF  }
0xc9: {  	_ =	shalt  }
tec
execute0_lowered:
.L_overlay_start_1:
0x0: {  	(tag) =	ssettag $0x1  }
0x1: {  	s0 =	srdreg.scid  }
0x2: {  	s1 =	rddreg [dreg:$0x0];
	s2 =	stileid.u32  }
0x3: {  	s6 =	rddreg [dreg:$0x1];
	s26 =	simm.s32 $0x80;
	s9 =	simm.s32 $0x3  }
0x4: {  	s18 =	simm.s32 $0x100;
	s22 =	simm.s32 $0x1900;
	s28 =	simm.s32 $0x4100  }
0x5: {  	s29 =	simm.s32 $0x4900;
	s30 =	simm.s32 $0x5100;
	s31 =	simm.s32 $0x5900  }
0x6: {  	s10 =	simm.s32 $0x7100;
	s11 =	simm.s32 $0x7900;
	s12 =	simm.s32 $0x8100  }
0x7: {  	s13 =	simm.s32 $0x8900;
	s14 =	simm.s32 $0x9100;
	s15 =	simm.s32 $0x9900  }
0x8: {  	s16 =	simm.s32 $0xA100;
	s17 =	simm.s32 $0xA900;
	s8 =	simm.s32 $0xB100  }
0x9: {  	s0 =	sand.u32 $0x1, s0;
	s3 =	sshll.u32 s2, $0x7;
	s2 =	simm.s32 $0x0  }
0xa: {  	s19 =	simm.s32 $0xB900;
	s4 =	sshll.u32 s0, $0x6;
	[smem:$0x7FF] =	sst s2  }
0xb: {  	s0 =	ssub.s32 $0x2, s0;
	s3 =	sor.u32 s4, s3;
	_ =	strace $0x80000047  }
0xc: {  	s23 =	sshrl.u32 s0, $0x1;
	[dreg:$0x6] =	wrdreg s26;
	s26 =	simm.s32 $0x3900  }
0xd: {  	s4 =	sshrl.u32 s3, $0x3;
	s5 =	sshll.u32 s3, $0x7;
	s3 =	sadd.s32 $0x42200, s6  }
0xe: {  	s0 =	ssub.s32 s0, s23;
	s23 =	simm.s32 $0x2100;
	s4 =	sadd.s32 s4, s6  }
0xf: {  	s1 =	sadd.s32 s1, s5;
	s5 =	sadd.s32 $0x42400, s6;
	s7 =	smax.u32 s0, $0x1  }
0x10: {  	v2 =	vlaneseq.u32;
	[dreg:$0x3] =	wrdreg s1;
	s24 =	sadd.s32 $0x41E00, s4;
	s25 =	sadd.s32 $0x42000, s4  }
0x11: {  	vm0 =	vmmov $0xffff;
	v1 =	vshrl.u32 v2, $0x3;
	s4 =	sadd.s32 $0x42300, s6;
	s6 =	sadd.s32 $0x42500, s6;
	[dreg:$0x4] =	wrdreg s24  }
0x12: {  	v0 =	vand.u32 $0x7, v2;
	v2 =	vor.u32 $0x8, v2;
	v1 =	vmul.u32 $0x8, v1;
	[dreg:$0x5] =	wrdreg s25;
	s24 =	simm.s32 $0x2900;
	s25 =	simm.s32 $0x3100  }
.LBB2_1:
0x13: {  	s20 =	rddreg [dreg:$0x3]  }
0x14: {  	[tilespmem:s18], [sflag:$0x3] =	stream.linear.gather [hbm4b:s20+s2], $0x10000, $0x38;
	[tilespmem:$0x10100] =	vst v63  }
0x15: {  	_ =	swait.ge [sflag:s9], $0x10000  }
0x16: {  	[sflag:s9] =	ssyncset.done $0x0  }
0x17: {  	s0 =	rddreg [dreg:$0x4];
	[sflag:s9] =	ssyncadd.s32 $0xFFFF0000  }
0x18: {  	[tilespmem:s2], [sflag:$0x3] =	stream.linear.gather [hbm4b:s0+s2], $0x40, $0x38;
	[tilespmem:$0x10100] =	vst v63  }
0x19: {  	_ =	swait.ge [sflag:s9], $0x40  }
0x1a: {  	s1 =	rddreg [dreg:$0x5];
	[sflag:s9] =	ssyncset.done $0x0  }
0x1b: {  	s21 =	rddreg [dreg:$0x6];
	[sflag:s9] =	ssyncadd.s32 $0xFFFFFFC0  }
0x1c: {  	[tilespmem:s21], [sflag:$0x3] =	stream.linear.gather [hbm4b:s1+s2], $0x40, $0x38;
	[tilespmem:$0x10100] =	vst v63  }
0x1d: {  	_ =	swait.ge [sflag:s9], $0x40  }
0x1e: {  	[sflag:s9] =	ssyncset.done $0x0  }
0x1f: {  	[sflag:s9] =	ssyncadd.s32 $0xFFFFFFC0  }
0x20: {  	v3 =	vld [tilespmem:$0x0];
	_ =	sdelay $0x4  }
0x21: {  	v4 =	vshll.u32 v3, $0x3  }
0x22: {  	v3 =	vand.u32 $0x7, v3;
	v4 =	vand.u32 $0xFFFFFFC0, v4  }
0x23: {  	v3 =	vor.u32 v3, v4  }
0x24: {  	v4 =	vperm.xlane v3, v0;
	_ =	sdelay $0x1  }
0x25: {  	v4 =	vadd.s32 v1, v4;
	_ =	sdelay $0x4  }
0x26: {  	[hbm4b:s3+s2] =	stream.indirect_vreg.scatter [tilespmem:s18], [sflag:$0x1], $0x80, v4, vm0, $0xb8;
	[tilespmem:$0x10100] =	vst v63  }
0x27: {  	s20 =	simm.s32 $0x900;
	v3 =	vperm.xlane v3, v2  }
0x28: {  	[hbm4b:s4+s2] =	stream.indirect_vreg.scatter [tilespmem:s20], [sflag:$0x1], $0x80, v4, vm0, $0xb8;
	[tilespmem:$0x10100] =	vst v63  }
0x29: {  	s21 =	simm.s32 $0x1100;
	v3 =	vadd.s32 v1, v3  }
0x2a: {  	[hbm4b:s5+s2] =	stream.indirect_vreg.scatter [tilespmem:s21], [sflag:$0x1], $0x80, v4, vm0, $0xb8;
	[tilespmem:$0x10100] =	vst v63  }
0x2b: {  	_ = 	snop  }
0x2c: {  	[hbm4b:s6+s2] =	stream.indirect_vreg.scatter [tilespmem:s22], [sflag:$0x1], $0x80, v4, vm0, $0xb8;
	[tilespmem:$0x10100] =	vst v63  }
0x2d: {  	_ = 	snop  }
0x2e: {  	[hbm4b:s3+s2] =	stream.indirect_vreg.scatter [tilespmem:s23], [sflag:$0x1], $0x80, v3, vm0, $0xb8;
	[tilespmem:$0x10100] =	vst v63  }
0x2f: {  	_ = 	snop  }
0x30: {  	[hbm4b:s4+s2] =	stream.indirect_vreg.scatter [tilespmem:s24], [sflag:$0x1], $0x80, v3, vm0, $0xb8;
	[tilespmem:$0x10100] =	vst v63  }
0x31: {  	_ = 	snop  }
0x32: {  	[hbm4b:s5+s2] =	stream.indirect_vreg.scatter [tilespmem:s25], [sflag:$0x1], $0x80, v3, vm0, $0xb8;
	[tilespmem:$0x10100] =	vst v63  }
0x33: {  	_ = 	snop  }
0x34: {  	[hbm4b:s6+s2] =	stream.indirect_vreg.scatter [tilespmem:s26], [sflag:$0x1], $0x80, v3, vm0, $0xb8;
	[tilespmem:$0x10100] =	vst v63  }
0x35: {  	v3 =	vld [tilespmem:$0x10];
	_ =	sdelay $0x4  }
0x36: {  	v57 =	vshll.u32 v3, $0x3  }
0x37: {  	v3 =	vand.u32 $0x7, v3;
	v4 =	vand.u32 $0xFFFFFFC0, v57  }
0x38: {  	v3 =	vor.u32 v3, v4  }
0x39: {  	v4 =	vperm.xlane v3, v0;
	_ =	sdelay $0x1  }
0x3a: {  	v4 =	vadd.s32 v1, v4;
	_ =	sdelay $0x4  }
0x3b: {  	[hbm4b:s3+s2] =	stream.indirect_vreg.scatter [tilespmem:s28], [sflag:$0x1], $0x80, v4, vm0, $0xb8;
	[tilespmem:$0x10100] =	vst v63  }
0x3c: {  	v3 =	vperm.xlane v3, v2  }
0x3d: {  	[hbm4b:s4+s2] =	stream.indirect_vreg.scatter [tilespmem:s29], [sflag:$0x1], $0x80, v4, vm0, $0xb8;
	[tilespmem:$0x10100] =	vst v63  }
0x3e: {  	v3 =	vadd.s32 v1, v3  }
0x3f: {  	[hbm4b:s5+s2] =	stream.indirect_vreg.scatter [tilespmem:s30], [sflag:$0x1], $0x80, v4, vm0, $0xb8;
	[tilespmem:$0x10100] =	vst v63  }
0x40: {  	_ = 	snop  }
0x41: {  	[hbm4b:s6+s2] =	stream.indirect_vreg.scatter [tilespmem:s31], [sflag:$0x1], $0x80, v4, vm0, $0xb8;
	[tilespmem:$0x10100] =	vst v63  }
0x42: {  	s1 =	simm.s32 $0x6100  }
0x43: {  	[hbm4b:s3+s2] =	stream.indirect_vreg.scatter [tilespmem:s1], [sflag:$0x1], $0x80, v3, vm0, $0xb8;
	[tilespmem:$0x10100] =	vst v63  }
0x44: {  	s0 =	simm.s32 $0x6900  }
0x45: {  	[hbm4b:s4+s2] =	stream.indirect_vreg.scatter [tilespmem:s0], [sflag:$0x1], $0x80, v3, vm0, $0xb8;
	[tilespmem:$0x10100] =	vst v63  }
0x46: {  	_ = 	snop  }
0x47: {  	[hbm4b:s5+s2] =	stream.indirect_vreg.scatter [tilespmem:s10], [sflag:$0x1], $0x80, v3, vm0, $0xb8;
	[tilespmem:$0x10100] =	vst v63  }
0x48: {  	_ = 	snop  }
0x49: {  	[hbm4b:s6+s2] =	stream.indirect_vreg.scatter [tilespmem:s11], [sflag:$0x1], $0x80, v3, vm0, $0xb8;
	[tilespmem:$0x10100] =	vst v63  }
0x4a: {  	v3 =	vld [tilespmem:$0x20];
	_ =	sdelay $0x4  }
0x4b: {  	v58 =	vshll.u32 v3, $0x3  }
0x4c: {  	v3 =	vand.u32 $0x7, v3;
	v4 =	vand.u32 $0xFFFFFFC0, v58  }
0x4d: {  	v3 =	vor.u32 v3, v4  }
0x4e: {  	v4 =	vperm.xlane v3, v0;
	_ =	sdelay $0x1  }
0x4f: {  	v4 =	vadd.s32 v1, v4;
	_ =	sdelay $0x4  }
0x50: {  	[hbm4b:s3+s2] =	stream.indirect_vreg.scatter [tilespmem:s12], [sflag:$0x1], $0x80, v4, vm0, $0xb8;
	[tilespmem:$0x10100] =	vst v63  }
0x51: {  	v3 =	vperm.xlane v3, v2  }
0x52: {  	[hbm4b:s4+s2] =	stream.indirect_vreg.scatter [tilespmem:s13], [sflag:$0x1], $0x80, v4, vm0, $0xb8;
	[tilespmem:$0x10100] =	vst v63  }
0x53: {  	v3 =	vadd.s32 v1, v3  }
0x54: {  	[hbm4b:s5+s2] =	stream.indirect_vreg.scatter [tilespmem:s14], [sflag:$0x1], $0x80, v4, vm0, $0xb8;
	[tilespmem:$0x10100] =	vst v63  }
0x55: {  	_ = 	snop  }
0x56: {  	[hbm4b:s6+s2] =	stream.indirect_vreg.scatter [tilespmem:s15], [sflag:$0x1], $0x80, v4, vm0, $0xb8;
	[tilespmem:$0x10100] =	vst v63  }
0x57: {  	_ = 	snop  }
0x58: {  	[hbm4b:s3+s2] =	stream.indirect_vreg.scatter [tilespmem:s16], [sflag:$0x1], $0x80, v3, vm0, $0xb8;
	[tilespmem:$0x10100] =	vst v63  }
0x59: {  	_ = 	snop  }
0x5a: {  	[hbm4b:s4+s2] =	stream.indirect_vreg.scatter [tilespmem:s17], [sflag:$0x1], $0x80, v3, vm0, $0xb8;
	[tilespmem:$0x10100] =	vst v63  }
0x5b: {  	_ = 	snop  }
0x5c: {  	[hbm4b:s5+s2] =	stream.indirect_vreg.scatter [tilespmem:s8], [sflag:$0x1], $0x80, v3, vm0, $0xb8;
	[tilespmem:$0x10100] =	vst v63  }
0x5d: {  	_ = 	snop  }
0x5e: {  	[hbm4b:s6+s2] =	stream.indirect_vreg.scatter [tilespmem:s19], [sflag:$0x1], $0x80, v3, vm0, $0xb8;
	[tilespmem:$0x10100] =	vst v63  }
0x5f: {  	v3 =	vld [tilespmem:$0x30];
	_ =	sdelay $0x4  }
0x60: {  	v59 =	vshll.u32 v3, $0x3  }
0x61: {  	v3 =	vand.u32 $0x7, v3;
	v4 =	vand.u32 $0xFFFFFFC0, v59  }
0x62: {  	v3 =	vor.u32 v3, v4  }
0x63: {  	v4 =	vperm.xlane v3, v0;
	_ =	sdelay $0x1  }
0x64: {  	v4 =	vadd.s32 v1, v4;
	_ =	sdelay $0x3  }
0x65: {  	s0 =	simm.s32 $0xC100  }
0x66: {  	[hbm4b:s3+s2] =	stream.indirect_vreg.scatter [tilespmem:s0], [sflag:$0x1], $0x80, v4, vm0, $0xb8;
	[tilespmem:$0x10100] =	vst v63  }
0x67: {  	v3 =	vperm.xlane v3, v2;
	s0 =	simm.s32 $0xC900  }
0x68: {  	[hbm4b:s4+s2] =	stream.indirect_vreg.scatter [tilespmem:s0], [sflag:$0x1], $0x80, v4, vm0, $0xb8;
	[tilespmem:$0x10100] =	vst v63  }
0x69: {  	v3 =	vadd.s32 v1, v3;
	s0 =	simm.s32 $0xD100  }
0x6a: {  	[hbm4b:s5+s2] =	stream.indirect_vreg.scatter [tilespmem:s0], [sflag:$0x1], $0x80, v4, vm0, $0xb8;
	[tilespmem:$0x10100] =	vst v63  }
0x6b: {  	s0 =	simm.s32 $0xD900  }
0x6c: {  	[hbm4b:s6+s2] =	stream.indirect_vreg.scatter [tilespmem:s0], [sflag:$0x1], $0x80, v4, vm0, $0xb8;
	[tilespmem:$0x10100] =	vst v63  }
0x6d: {  	s0 =	simm.s32 $0xE100  }
0x6e: {  	[hbm4b:s3+s2] =	stream.indirect_vreg.scatter [tilespmem:s0], [sflag:$0x1], $0x80, v3, vm0, $0xb8;
	[tilespmem:$0x10100] =	vst v63  }
0x6f: {  	s0 =	simm.s32 $0xE900  }
0x70: {  	[hbm4b:s4+s2] =	stream.indirect_vreg.scatter [tilespmem:s0], [sflag:$0x1], $0x80, v3, vm0, $0xb8;
	[tilespmem:$0x10100] =	vst v63  }
0x71: {  	s0 =	simm.s32 $0xF100  }
0x72: {  	[hbm4b:s5+s2] =	stream.indirect_vreg.scatter [tilespmem:s0], [sflag:$0x1], $0x80, v3, vm0, $0xb8;
	[tilespmem:$0x10100] =	vst v63  }
0x73: {  	s0 =	simm.s32 $0xF900  }
0x74: {  	[hbm4b:s6+s2] =	stream.indirect_vreg.scatter [tilespmem:s0], [sflag:$0x1], $0x80, v3, vm0, $0xb8;
	[tilespmem:$0x10100] =	vst v63  }
0x75: {  	v3 =	vld [tilespmem:$0x80];
	_ =	sdelay $0x4  }
0x76: {  	v60 =	vshll.u32 v3, $0x3  }
0x77: {  	v3 =	vand.u32 $0x7, v3;
	v4 =	vand.u32 $0xFFFFFFC0, v60  }
0x78: {  	v3 =	vor.u32 v3, v4  }
0x79: {  	v4 =	vperm.xlane v3, v0;
	_ =	sdelay $0x1  }
0x7a: {  	v4 =	vadd.s32 v1, v4;
	_ =	sdelay $0x4  }
0x7b: {  	[hbm4b:s3+s2] =	stream.indirect_vreg.scatter [tilespmem:s18], [sflag:$0x2], $0x80, v4, vm0, $0xb8;
	[tilespmem:$0x10100] =	vst v63  }
0x7c: {  	v3 =	vperm.xlane v3, v2  }
0x7d: {  	[hbm4b:s4+s2] =	stream.indirect_vreg.scatter [tilespmem:s20], [sflag:$0x2], $0x80, v4, vm0, $0xb8;
	[tilespmem:$0x10100] =	vst v63  }
0x7e: {  	v3 =	vadd.s32 v1, v3  }
0x7f: {  	[hbm4b:s5+s2] =	stream.indirect_vreg.scatter [tilespmem:s21], [sflag:$0x2], $0x80, v4, vm0, $0xb8;
	[tilespmem:$0x10100] =	vst v63  }
0x80: {  	_ = 	snop  }
0x81: {  	[hbm4b:s6+s2] =	stream.indirect_vreg.scatter [tilespmem:s22], [sflag:$0x2], $0x80, v4, vm0, $0xb8;
	[tilespmem:$0x10100] =	vst v63  }
0x82: {  	_ = 	snop  }
0x83: {  	[hbm4b:s3+s2] =	stream.indirect_vreg.scatter [tilespmem:s23], [sflag:$0x2], $0x80, v3, vm0, $0xb8;
	[tilespmem:$0x10100] =	vst v63  }
0x84: {  	_ = 	snop  }
0x85: {  	[hbm4b:s4+s2] =	stream.indirect_vreg.scatter [tilespmem:s24], [sflag:$0x2], $0x80, v3, vm0, $0xb8;
	[tilespmem:$0x10100] =	vst v63  }
0x86: {  	_ = 	snop  }
0x87: {  	[hbm4b:s5+s2] =	stream.indirect_vreg.scatter [tilespmem:s25], [sflag:$0x2], $0x80, v3, vm0, $0xb8;
	[tilespmem:$0x10100] =	vst v63  }
0x88: {  	_ = 	snop  }
0x89: {  	[hbm4b:s6+s2] =	stream.indirect_vreg.scatter [tilespmem:s26], [sflag:$0x2], $0x80, v3, vm0, $0xb8;
	[tilespmem:$0x10100] =	vst v63  }
0x8a: {  	v3 =	vld [tilespmem:$0x90];
	_ =	sdelay $0x4  }
0x8b: {  	v61 =	vshll.u32 v3, $0x3  }
0x8c: {  	v3 =	vand.u32 $0x7, v3;
	v4 =	vand.u32 $0xFFFFFFC0, v61  }
0x8d: {  	v3 =	vor.u32 v3, v4  }
0x8e: {  	v4 =	vperm.xlane v3, v0;
	_ =	sdelay $0x1  }
0x8f: {  	v4 =	vadd.s32 v1, v4;
	_ =	sdelay $0x4  }
0x90: {  	[hbm4b:s3+s2] =	stream.indirect_vreg.scatter [tilespmem:s28], [sflag:$0x2], $0x80, v4, vm0, $0xb8;
	[tilespmem:$0x10100] =	vst v63  }
0x91: {  	v3 =	vperm.xlane v3, v2  }
0x92: {  	[hbm4b:s4+s2] =	stream.indirect_vreg.scatter [tilespmem:s29], [sflag:$0x2], $0x80, v4, vm0, $0xb8;
	[tilespmem:$0x10100] =	vst v63  }
0x93: {  	v3 =	vadd.s32 v1, v3  }
0x94: {  	[hbm4b:s5+s2] =	stream.indirect_vreg.scatter [tilespmem:s30], [sflag:$0x2], $0x80, v4, vm0, $0xb8;
	[tilespmem:$0x10100] =	vst v63  }
0x95: {  	_ = 	snop  }
0x96: {  	[hbm4b:s6+s2] =	stream.indirect_vreg.scatter [tilespmem:s31], [sflag:$0x2], $0x80, v4, vm0, $0xb8;
	[tilespmem:$0x10100] =	vst v63  }
0x97: {  	_ = 	snop  }
0x98: {  	[hbm4b:s3+s2] =	stream.indirect_vreg.scatter [tilespmem:s1], [sflag:$0x2], $0x80, v3, vm0, $0xb8;
	[tilespmem:$0x10100] =	vst v63  }
0x99: {  	s20 =	simm.s32 $0x6900  }
0x9a: {  	[hbm4b:s4+s2] =	stream.indirect_vreg.scatter [tilespmem:s20], [sflag:$0x2], $0x80, v3, vm0, $0xb8;
	[tilespmem:$0x10100] =	vst v63  }
0x9b: {  	_ = 	snop  }
0x9c: {  	[hbm4b:s5+s2] =	stream.indirect_vreg.scatter [tilespmem:s10], [sflag:$0x2], $0x80, v3, vm0, $0xb8;
	[tilespmem:$0x10100] =	vst v63  }
0x9d: {  	_ = 	snop  }
0x9e: {  	[hbm4b:s6+s2] =	stream.indirect_vreg.scatter [tilespmem:s11], [sflag:$0x2], $0x80, v3, vm0, $0xb8;
	[tilespmem:$0x10100] =	vst v63  }
0x9f: {  	v3 =	vld [tilespmem:$0xA0];
	_ =	sdelay $0x4  }
0xa0: {  	v62 =	vshll.u32 v3, $0x3  }
0xa1: {  	v3 =	vand.u32 $0x7, v3;
	v4 =	vand.u32 $0xFFFFFFC0, v62  }
0xa2: {  	v3 =	vor.u32 v3, v4  }
0xa3: {  	v4 =	vperm.xlane v3, v0;
	_ =	sdelay $0x1  }
0xa4: {  	v4 =	vadd.s32 v1, v4;
	_ =	sdelay $0x4  }
0xa5: {  	[hbm4b:s3+s2] =	stream.indirect_vreg.scatter [tilespmem:s12], [sflag:$0x2], $0x80, v4, vm0, $0xb8;
	[tilespmem:$0x10100] =	vst v63  }
0xa6: {  	v3 =	vperm.xlane v3, v2  }
0xa7: {  	[hbm4b:s4+s2] =	stream.indirect_vreg.scatter [tilespmem:s13], [sflag:$0x2], $0x80, v4, vm0, $0xb8;
	[tilespmem:$0x10100] =	vst v63  }
0xa8: {  	v3 =	vadd.s32 v1, v3  }
0xa9: {  	[hbm4b:s5+s2] =	stream.indirect_vreg.scatter [tilespmem:s14], [sflag:$0x2], $0x80, v4, vm0, $0xb8;
	[tilespmem:$0x10100] =	vst v63  }
0xaa: {  	_ = 	snop  }
0xab: {  	[hbm4b:s6+s2] =	stream.indirect_vreg.scatter [tilespmem:s15], [sflag:$0x2], $0x80, v4, vm0, $0xb8;
	[tilespmem:$0x10100] =	vst v63  }
0xac: {  	_ = 	snop  }
0xad: {  	[hbm4b:s3+s2] =	stream.indirect_vreg.scatter [tilespmem:s16], [sflag:$0x2], $0x80, v3, vm0, $0xb8;
	[tilespmem:$0x10100] =	vst v63  }
0xae: {  	_ = 	snop  }
0xaf: {  	[hbm4b:s4+s2] =	stream.indirect_vreg.scatter [tilespmem:s17], [sflag:$0x2], $0x80, v3, vm0, $0xb8;
	[tilespmem:$0x10100] =	vst v63  }
0xb0: {  	_ = 	snop  }
0xb1: {  	[hbm4b:s5+s2] =	stream.indirect_vreg.scatter [tilespmem:s8], [sflag:$0x2], $0x80, v3, vm0, $0xb8;
	[tilespmem:$0x10100] =	vst v63  }
0xb2: {  	_ = 	snop  }
0xb3: {  	[hbm4b:s6+s2] =	stream.indirect_vreg.scatter [tilespmem:s19], [sflag:$0x2], $0x80, v3, vm0, $0xb8;
	[tilespmem:$0x10100] =	vst v63  }
0xb4: {  	v3 =	vld [tilespmem:$0xB0];
	_ =	sdelay $0x4  }
0xb5: {  	v63 =	vshll.u32 v3, $0x3  }
0xb6: {  	v3 =	vand.u32 $0x7, v3;
	v4 =	vand.u32 $0xFFFFFFC0, v63  }
0xb7: {  	v3 =	vor.u32 v3, v4  }
0xb8: {  	v4 =	vperm.xlane v3, v0;
	_ =	sdelay $0x1  }
0xb9: {  	v4 =	vadd.s32 v1, v4;
	_ =	sdelay $0x3  }
0xba: {  	s21 =	simm.s32 $0xC100  }
0xbb: {  	[hbm4b:s3+s2] =	stream.indirect_vreg.scatter [tilespmem:s21], [sflag:$0x2], $0x80, v4, vm0, $0xb8;
	[tilespmem:$0x10100] =	vst v63  }
0xbc: {  	s20 =	simm.s32 $0xC900;
	v3 =	vperm.xlane v3, v2  }
0xbd: {  	[hbm4b:s4+s2] =	stream.indirect_vreg.scatter [tilespmem:s20], [sflag:$0x2], $0x80, v4, vm0, $0xb8;
	[tilespmem:$0x10100] =	vst v63  }
0xbe: {  	v3 =	vadd.s32 v1, v3;
	s21 =	simm.s32 $0xD100  }
0xbf: {  	[hbm4b:s5+s2] =	stream.indirect_vreg.scatter [tilespmem:s21], [sflag:$0x2], $0x80, v4, vm0, $0xb8;
	[tilespmem:$0x10100] =	vst v63  }
0xc0: {  	s20 =	simm.s32 $0xD900  }
0xc1: {  	[hbm4b:s6+s2] =	stream.indirect_vreg.scatter [tilespmem:s20], [sflag:$0x2], $0x80, v4, vm0, $0xb8;
	[tilespmem:$0x10100] =	vst v63  }
0xc2: {  	s21 =	simm.s32 $0xE100  }
0xc3: {  	[hbm4b:s3+s2] =	stream.indirect_vreg.scatter [tilespmem:s21], [sflag:$0x2], $0x80, v3, vm0, $0xb8;
	[tilespmem:$0x10100] =	vst v63  }
0xc4: {  	s20 =	simm.s32 $0xE900  }
0xc5: {  	[hbm4b:s4+s2] =	stream.indirect_vreg.scatter [tilespmem:s20], [sflag:$0x2], $0x80, v3, vm0, $0xb8;
	[tilespmem:$0x10100] =	vst v63  }
0xc6: {  	s21 =	simm.s32 $0xF100  }
0xc7: {  	[hbm4b:s5+s2] =	stream.indirect_vreg.scatter [tilespmem:s21], [sflag:$0x2], $0x80, v3, vm0, $0xb8;
	[tilespmem:$0x10100] =	vst v63  }
0xc8: {  	s20 =	simm.s32 $0x1  }
0xc9: {  	[hbm4b:s6+s2] =	stream.indirect_vreg.scatter [tilespmem:s0], [sflag:$0x2], $0x80, v3, vm0, $0xb8;
	[tilespmem:$0x10100] =	vst v63  }
0xca: {  	p0 =	sne.s32 s7, $0x1;
	_ =	swait.ge [sflag:s20], $0x10000  }
.Ltmp0:
0xcb: {  	[sflag:s20] =	ssyncset.done $0x0;
	(pc) =	sbr.rel @p0 .LBB2_1-.Ltmp0, $4  }
0xcc: {  	s21 =	simm.s32 $0x2;
	[sflag:s20] =	ssyncadd.s32 $0xFFFF0000  }
0xcd: {  	_ =	swait.ge [sflag:s21], $0x10000  }
0xce: {  	[sflag:s21] =	ssyncset.done $0x0  }
0xcf: {  	s7 =	sadd.s32 $0xFFFFFFFF, s7;
	[sflag:s21] =	ssyncadd.s32 $0xFFFF0000  }
0xd0: {  	_ =	sfence.sel $0x180000  }
0xd1: {  	[bflag:$0x0] =	sbarrier.arrive $0xFFFF  }
0xd2: {  	_ =	strace $0x90000047  }
0xd3: {  	s0 =	stileid.u32;
	[bflag:$0x2] =	sbarrier.arrive $0xFFFF  }
0xd4: {  	p0 =	sne.s32 s0, $0x0;
	s0 =	rddreg [dreg:$0x2]  }
0xd5: {  	s0 =	sadd.s32 @!p0 $0x100000, s0  }
0xd6: {  	[sflag:s0] =	ssyncadd.tile.s32 @!p0 $0x1;
	_ =	shalt  }
.Lfunc_end2:
_tile_overlayer_lowered:
.L_overlay_start_2:
0xd7: {  	(tag) =	ssettag $0x2  }
0xd8: {  	s0 =	rddreg [dreg:$0x0];
	s2 =	stileid.u32  }
0xd9: {  	s1 =	rddreg [dreg:$0x1];
	p0 =	sne.s32 s2, $0x0  }
0xda: {  	s3 =	rddreg [dreg:$0x2];
	[bflag:$0x3] =	sbarrier.arrive $0xFFFF;
	s2 =	simm.s32 @!p0 $0x1C03  }
0xdb: {  	[timem:s3], [sflag:s2] =	dma.local @!p0 [hbm:s0], s1  }
0xdc: {  	s0 =	simm.s32 @!p0 $0x3  }
0xdd: {  	_ =	swait.ge @!p0 [sflag:s0], s1  }
0xde: {  	s1 =	ssub.s32 @!p0 $0x0, s1;
	[sflag:s0] =	ssyncset.done @!p0 $0x0  }
0xdf: {  	[sflag:s0] =	ssyncadd.s32 @!p0 s1  }
0xe0: {  	[bflag:$0x3] =	sbarrier.arrive $0xFFFF  }
0xe1: {  	_ =	shalt  }

</sc_bundles>
